<compile_context>
chip_gen: v7x
topology: tpu7x:2x2x1
jax: 0.10.2.dev20260603
libtpu: 0.0.44.dev20260713+nightly
codegen_flags: <defaults>
</compile_context>

<pallas_src>
import functools

import numpy as np

import jax
import jax.numpy as jnp
from jax import lax
from jax.experimental import pallas as pl
from jax.experimental.pallas import tpu as pltpu
from jax.experimental.pallas import tpu_sc as plsc

BS = 32
P = 196
D = 32
K = 512
PS = 16
NROW = 14

NC = 2
NS = 16
NW = NC * NS
IMG = NROW * PS


_AB = 4


def _assign_body(img_ref, cent_ref, out_ref):
    x = img_ref[...].reshape(_AB * P, D)
    c = cent_ref[...]
    dot = jnp.dot(x, c, preferred_element_type=jnp.float32,
                  precision=lax.Precision.HIGHEST)
    cn = jnp.sum(c * c, axis=0, keepdims=True)
    score = cn - 2.0 * dot
    m = jnp.max(score, axis=1, keepdims=True)
    ids = lax.broadcasted_iota(jnp.int32, (_AB * P, K), 1)
    a = jnp.min(jnp.where(score >= m, ids, K), axis=1,
                keepdims=True)
    a = jnp.concatenate([a.reshape(_AB, P, 1),
                         jnp.zeros((_AB, 256 - P, 1), jnp.int32)], axis=1)
    out_ref[...] = jnp.transpose(a.reshape(_AB * 256, 1)).reshape(_AB, 2, 128)


def _assignment(image, centroids):
    return pl.pallas_call(
        _assign_body,
        grid=(BS // _AB,),
        in_specs=[
            pl.BlockSpec((_AB, P, D), lambda b: (b, 0, 0)),
            pl.BlockSpec((D, K), lambda b: (0, 0)),
        ],
        out_specs=pl.BlockSpec((_AB, 2, 128), lambda b: (b, 0, 0)),
        out_shape=jax.ShapeDtypeStruct((BS, 2, 128), jnp.int32),
    )(image, centroids)


def _decode_body(in_ref, p_ref, out_ref):
    w = in_ref[0]
    acc = jnp.zeros((IMG, IMG), jnp.float32)
    for s in range(4):
        plane = ((w >> (8 * s)) & 255).astype(jnp.bfloat16)
        acc += jnp.dot(plane, p_ref[s], preferred_element_type=jnp.float32)
    out_ref[...] = acc.astype(jnp.int32)[None]


def _byte_perm():
    p = np.zeros((4, 64, IMG), np.float32)
    for s in range(4):
        for m in range(56):
            p[s, m, 4 * m + s] = 1.0
    return jnp.asarray(p, dtype=jnp.bfloat16)


def _decode(packed32):
    return pl.pallas_call(
        _decode_body,
        grid=(BS,),
        in_specs=[
            pl.BlockSpec((1, IMG, 64), lambda b: (b, 0, 0)),
            pl.BlockSpec((4, 64, IMG), lambda b: (0, 0, 0)),
        ],
        out_specs=pl.BlockSpec((1, IMG, IMG), lambda b: (b, 0, 0)),
        out_shape=jax.ShapeDtypeStruct((BS, IMG, IMG), jnp.int32),
    )(packed32, _byte_perm())


@functools.cache
def _sc_gather_kernel():
    mesh = plsc.VectorSubcoreMesh(core_axis_name="c", subcore_axis_name="s")

    @functools.partial(
        pl.kernel,
        mesh=mesh,
        out_type=jax.ShapeDtypeStruct((BS, IMG, 64), jnp.int32),
        compiler_params=pltpu.CompilerParams(needs_layout_passes=False),
        scratch_types=[
            pltpu.VMEM_SHARED((K // 2, 128), jnp.int32),
            pltpu.VMEM((K // 2, 128), jnp.int32),
            pltpu.VMEM((2, 128), jnp.int32),
            pltpu.VMEM((IMG, 64), jnp.int32),
            pltpu.SemaphoreType.DMA,
        ],
    )
    def _sc_gather(table_hbm, assign_hbm, out_hbm, tab_sh, tab_v, a_v, out_v,
                   sem):
        cid = lax.axis_index("c")
        sid = lax.axis_index("s")
        wid = sid * NC + cid

        with jax.named_scope("stage_table"):
            @pl.when(sid == 0)
            def _stage():
                pltpu.sync_copy(table_hbm, tab_sh)

            plsc.subcore_barrier()
            pltpu.sync_copy(tab_sh, tab_v)
            pltpu.sync_copy(assign_hbm.at[wid], a_v)

        lanes = lax.iota(jnp.int32, PS)
        kvec = lanes & 3

        def body(r, carry):
            for g in range(4):
                pvec = r * NROW + g * 4 + (lanes >> 2)
                a_lane = plsc.load_gather(a_v, [pvec >> 7, pvec & 127])
                trow = a_lane >> 1
                tbase = (a_lane & 1) * 64
                for i in range(PS):
                    words = plsc.load_gather(
                        tab_v, [trow, tbase + i * 4 + kvec])
                    out_v[r * PS + i, pl.ds(PS * g, PS)] = words
            return carry

        with jax.named_scope("assemble"):
            lax.fori_loop(0, NROW, body, 0)
        with jax.named_scope("writeback"):
            pltpu.sync_copy(out_v, out_hbm.at[wid])

    return _sc_gather


def kernel(image, centroids, cluster_labels):
    assign = _assignment(image, centroids)
    y4 = jnp.transpose(cluster_labels).reshape(K, 64, 4)
    table32 = (y4[..., 0] | (y4[..., 1] << 8)
               | (y4[..., 2] << 16) | (y4[..., 3] << 24))
    table32 = table32.reshape(K // 2, 128)
    out32 = _sc_gather_kernel()(table32, assign)
    return _decode(out32)

# --- scband reference (transcript-rebuilt; emitter-appended) ---
"""Pipeline reference for scband-kmeans-segmentator-32950989095152 (READ-ONLY COPY).

The authoritative reference and input builder live on the scoring server;
editing this copy changes nothing except your own understanding.
"""

import jax, jax.numpy as jnp
import numpy as np

BS = 32      # batch size
P = 196      # num_patches = (224/16)^2
D = 32       # embed_dim (code_dim)
K = 512      # number of clusters
PS = 16      # patch_size
NROW = 14    # img_size // patch_size
NC = 21      # num_classes


def setup_inputs(seed: int = 0) -> dict:
    key = jax.random.key(seed)
    k1, k2, k3 = jax.random.split(key, 3)
    image = jax.random.normal(k1, (BS, P, D), dtype=jnp.float32)
    centroids = jax.random.normal(k2, (D, K), dtype=jnp.float32)
    cluster_labels = jax.random.randint(k3, (PS * PS, K), 0, NC, dtype=jnp.int32)
    return {"image": image, "centroids": centroids, "cluster_labels": cluster_labels}


def reference(image, centroids, cluster_labels):
    # feat: [BS, P, D, 1]; backbone feature extraction is modeled as identity
    # (image input IS the extracted per-patch feature tensor).
    feat = image[..., None]
    # centroids broadcast to [BS, P, D, K]
    c = centroids[None, None, :, :]
    # l2_distance with dim=2 (sum over embed_dim) -> [BS, P, K]
    l2_dists = jnp.sum((c - feat) ** 2, axis=2)
    # NOTE: original forward uses argmax (kept faithful) -> [BS, P]
    assignment = jnp.argmax(l2_dists, axis=2)
    # gather cluster_labels[pixel, assignment] -> [BS, P, PS*PS]
    pix = jnp.arange(PS * PS)
    patch_preds = cluster_labels[pix[None, None, :], assignment[:, :, None]]
    # reshape to patches and tile into image grid (make_grid, nrow=14, padding=0)
    patch_preds = patch_preds.reshape(BS, NROW, NROW, PS, PS)
    pred = patch_preds.transpose(0, 1, 3, 2, 4).reshape(BS, NROW * PS, NROW * PS)
    return pred

if __name__ == "__main__":
    import jax
    _d = setup_inputs()
    print(jax.jit(kernel)(*tuple(_d.values())))

</pallas_src>

<mosaic_0001>
#map = affine_map<(d0, d1) -> (0, 0)>
#map1 = affine_map<(d0, d1) -> (0, 0, 0)>
module attributes {stable_mosaic.version = 14 : i64} {
  func.func @_sc_gather(%arg0: i32, %arg1: i32, %arg2: memref<256x128xi32, #tpu.memory_space<hbm>>, %arg3: memref<32x2x128xi32, #tpu.memory_space<hbm>>, %arg4: memref<32x224x64xi32, #tpu.memory_space<hbm>>, %arg5: memref<256x128xi32, #tpu.memory_space<vmem_shared>>, %arg6: memref<256x128xi32, #tpu.memory_space<vmem>>, %arg7: memref<2x128xi32, #tpu.memory_space<vmem>>, %arg8: memref<224x64xi32, #tpu.memory_space<vmem>>, %arg9: memref<!tpu.dma_semaphore, #tpu.memory_space<semaphore_mem>>) attributes {dimension_semantics = [#tpu.dimension_semantics<core_parallel>, #tpu.dimension_semantics<subcore_parallel>], iteration_bounds = array<i64: 2, 16>, scalar_prefetch = 0 : i64, scratch_operands = 5 : i64, tpu.core_type = #tpu.core_type<sc_vector_subcore>, window_params = [{transform_indices = #map}, {transform_indices = #map1}, {transform_indices = #map1}]} {
    %mul3A = arith.constant 21 : i32
    %mul3A_0 = arith.muli %arg1, %mul3A : i32
    %add3A = arith.addi %mul3A_0, %arg0 : i32
    %eq3A = arith.constant 0 : i32
    "tpu.trace_start"() <{level = 10 : i32, message = "stage_table"}> : () -> ()
    %eq3A_1 = arith.cmpi eq, %arg1, %eq3A : i32
    %convert_element_type3A = arith.extui %eq3A_1 : i1 to i32
    %cond3A = arith.constant 0 : i32
    %cond3A_2 = arith.cmpi ne, %convert_element_type3A, %cond3A : i32
    scf.if %cond3A_2 {
      "tpu.region"() ({
        %run_scoped3A = tpu.sem_alloc : memref<!tpu.dma_semaphore, #tpu.memory_space<semaphore_mem>>
        tpu.enqueue_dma source(%arg2 : memref<256x128xi32, #tpu.memory_space<hbm>>) target(%arg5 : memref<256x128xi32, #tpu.memory_space<vmem_shared>>) target_semaphore(%run_scoped3A : memref<!tpu.dma_semaphore, #tpu.memory_space<semaphore_mem>>)
        tpu.wait_dma2 semaphore(%run_scoped3A : memref<!tpu.dma_semaphore, #tpu.memory_space<semaphore_mem>>) src(%arg2 : memref<256x128xi32, #tpu.memory_space<hbm>>) dst(%arg5 : memref<256x128xi32, #tpu.memory_space<vmem_shared>>)
        tpu.yield
      }) : () -> ()
    } else {
    }
    %barrier3A = arith.constant 0 : index
    tpu.barrier barrier_id(%barrier3A)
    "tpu.region"() ({
      %run_scoped3A = tpu.sem_alloc : memref<!tpu.dma_semaphore, #tpu.memory_space<semaphore_mem>>
      tpu.enqueue_dma source(%arg5 : memref<256x128xi32, #tpu.memory_space<vmem_shared>>) target(%arg6 : memref<256x128xi32, #tpu.memory_space<vmem>>) target_semaphore(%run_scoped3A : memref<!tpu.dma_semaphore, #tpu.memory_space<semaphore_mem>>)
      tpu.wait_dma2 semaphore(%run_scoped3A : memref<!tpu.dma_semaphore, #tpu.memory_space<semaphore_mem>>) src(%arg5 : memref<256x128xi32, #tpu.memory_space<vmem_shared>>) dst(%arg6 : memref<256x128xi32, #tpu.memory_space<vmem>>)
      tpu.yield
    }) : () -> ()
    "tpu.region"() ({
      %run_scoped3A = tpu.sem_alloc : memref<!tpu.dma_semaphore, #tpu.memory_space<semaphore_mem>>
      %dma_start3A = arith.constant 0 : i32
      %dma_start3A_10 = arith.constant 0 : i32
      %dma_start3A_11 = tpu.memref_slice %arg3[%add3A, %dma_start3A, %dma_start3A_10] : memref<32x2x128xi32, #tpu.memory_space<hbm>> -> memref<1x2x128xi32, #tpu.memory_space<hbm>>
      %dma_start3A_12 = tpu.memref_squeeze %dma_start3A_11 : memref<1x2x128xi32, #tpu.memory_space<hbm>> -> memref<2x128xi32, #tpu.memory_space<hbm>>
      %dma_start3A_13 = arith.constant 0 : i32
      %dma_start3A_14 = arith.constant 0 : i32
      %dma_start3A_15 = tpu.memref_slice %arg3[%add3A, %dma_start3A_13, %dma_start3A_14] : memref<32x2x128xi32, #tpu.memory_space<hbm>> -> memref<1x2x128xi32, #tpu.memory_space<hbm>>
      %dma_start3A_16 = tpu.memref_squeeze %dma_start3A_15 : memref<1x2x128xi32, #tpu.memory_space<hbm>> -> memref<2x128xi32, #tpu.memory_space<hbm>>
      tpu.enqueue_dma source(%dma_start3A_16 : memref<2x128xi32, #tpu.memory_space<hbm>>) target(%arg7 : memref<2x128xi32, #tpu.memory_space<vmem>>) target_semaphore(%run_scoped3A : memref<!tpu.dma_semaphore, #tpu.memory_space<semaphore_mem>>)
      %dma_wait3A = arith.constant 0 : i32
      %dma_wait3A_17 = arith.constant 0 : i32
      %dma_wait3A_18 = tpu.memref_slice %arg3[%add3A, %dma_wait3A, %dma_wait3A_17] : memref<32x2x128xi32, #tpu.memory_space<hbm>> -> memref<1x2x128xi32, #tpu.memory_space<hbm>>
      %dma_wait3A_19 = tpu.memref_squeeze %dma_wait3A_18 : memref<1x2x128xi32, #tpu.memory_space<hbm>> -> memref<2x128xi32, #tpu.memory_space<hbm>>
      %dma_wait3A_20 = arith.constant 0 : i32
      %dma_wait3A_21 = arith.constant 0 : i32
      %dma_wait3A_22 = tpu.memref_slice %arg3[%add3A, %dma_wait3A_20, %dma_wait3A_21] : memref<32x2x128xi32, #tpu.memory_space<hbm>> -> memref<1x2x128xi32, #tpu.memory_space<hbm>>
      %dma_wait3A_23 = tpu.memref_squeeze %dma_wait3A_22 : memref<1x2x128xi32, #tpu.memory_space<hbm>> -> memref<2x128xi32, #tpu.memory_space<hbm>>
      tpu.wait_dma2 semaphore(%run_scoped3A : memref<!tpu.dma_semaphore, #tpu.memory_space<semaphore_mem>>) src(%dma_wait3A_23 : memref<2x128xi32, #tpu.memory_space<hbm>>) dst(%arg7 : memref<2x128xi32, #tpu.memory_space<vmem>>)
      tpu.yield
    }) : () -> ()
    "tpu.trace_stop"() : () -> ()
    %iota3A = tpu.iota {dimensions = array<i32: 0>} : vector<16xi32>
    %and3A = arith.constant 3 : i32
    %and3A_3 = vector.broadcast %and3A : i32 to vector<16xi32>
    %and3A_4 = arith.andi %iota3A, %and3A_3 : vector<16xi32>
    "tpu.trace_start"() <{level = 10 : i32, message = "assemble"}> : () -> ()
    %scan3A = arith.constant 0 : i32
    %scan3A_5 = arith.constant 0 : i32
    %scan3A_6 = arith.constant 14 : i32
    %scan3A_7 = arith.addi %scan3A_5, %scan3A_6 : i32
    %scan3A_8 = arith.constant 1 : i32
    scf.for %scan3A_10 = %scan3A_5 to %scan3A_7 step %scan3A_8  : i32 {
      %mul3A_11 = arith.constant 14 : i32
      %mul3A_12 = arith.muli %scan3A_10, %mul3A_11 : i32
      %add3A_13 = arith.constant 0 : i32
      %add3A_14 = arith.addi %mul3A_12, %add3A_13 : i32
      %shift_right_arithmetic3A = arith.constant 2 : i32
      %shift_right_arithmetic3A_15 = vector.broadcast %shift_right_arithmetic3A : i32 to vector<16xi32>
      %shift_right_arithmetic3A_16 = arith.shrsi %iota3A, %shift_right_arithmetic3A_15 : vector<16xi32>
      %add3A_17 = vector.broadcast %add3A_14 : i32 to vector<16xi32>
      %add3A_18 = arith.addi %add3A_17, %shift_right_arithmetic3A_16 : vector<16xi32>
      %shift_right_arithmetic3A_19 = arith.constant 7 : i32
      %shift_right_arithmetic3A_20 = vector.broadcast %shift_right_arithmetic3A_19 : i32 to vector<16xi32>
      %shift_right_arithmetic3A_21 = arith.shrsi %add3A_18, %shift_right_arithmetic3A_20 : vector<16xi32>
      %and3A_22 = arith.constant 127 : i32
      %and3A_23 = vector.broadcast %and3A_22 : i32 to vector<16xi32>
      %and3A_24 = arith.andi %add3A_18, %and3A_23 : vector<16xi32>
      %gather3A = tpu.vector_load_idx %arg7[%shift_right_arithmetic3A_21, %and3A_24] : memref<2x128xi32, #tpu.memory_space<vmem>>[vector<16xi32>, vector<16xi32>], vector<16xi32>,
      %shift_right_arithmetic3A_25 = arith.constant 1 : i32
      %shift_right_arithmetic3A_26 = vector.broadcast %shift_right_arithmetic3A_25 : i32 to vector<16xi32>
      %shift_right_arithmetic3A_27 = arith.shrsi %gather3A, %shift_right_arithmetic3A_26 : vector<16xi32>
      %and3A_28 = arith.constant 1 : i32
      %and3A_29 = vector.broadcast %and3A_28 : i32 to vector<16xi32>
      %and3A_30 = arith.andi %gather3A, %and3A_29 : vector<16xi32>
      %mul3A_31 = arith.constant 64 : i32
      %mul3A_32 = vector.broadcast %mul3A_31 : i32 to vector<16xi32>
      %mul3A_33 = arith.muli %and3A_30, %mul3A_32 : vector<16xi32>
      %add3A_34 = arith.constant 0 : i32
      %add3A_35 = vector.broadcast %add3A_34 : i32 to vector<16xi32>
      %add3A_36 = arith.addi %mul3A_33, %add3A_35 : vector<16xi32>
      %add3A_37 = arith.addi %add3A_36, %and3A_4 : vector<16xi32>
      %gather3A_38 = tpu.vector_load_idx %arg6[%shift_right_arithmetic3A_27, %add3A_37] : memref<256x128xi32, #tpu.memory_space<vmem>>[vector<16xi32>, vector<16xi32>], vector<16xi32>,
      %mul3A_39 = arith.constant 16 : i32
      %mul3A_40 = arith.muli %scan3A_10, %mul3A_39 : i32
      %add3A_41 = arith.constant 0 : i32
      %add3A_42 = arith.addi %mul3A_40, %add3A_41 : i32
      %swap3A = arith.index_cast %add3A_42 : i32 to index
      %swap3A_43 = arith.constant 0 : index
      %swap3A_44 = tpu.vector_load %arg8[%swap3A, %swap3A_43] {strides = array<i32>} : memref<224x64xi32, #tpu.memory_space<vmem>>, vector<16xi32>,
      tpu.vector_store %arg8[%swap3A, %swap3A_43], %gather3A_38 {strides = array<i32>} : memref<224x64xi32, #tpu.memory_space<vmem>>, vector<16xi32>,
      %add3A_45 = arith.constant 4 : i32
      %add3A_46 = vector.broadcast %add3A_45 : i32 to vector<16xi32>
      %add3A_47 = arith.addi %mul3A_33, %add3A_46 : vector<16xi32>
      %add3A_48 = arith.addi %add3A_47, %and3A_4 : vector<16xi32>
      %gather3A_49 = tpu.vector_load_idx %arg6[%shift_right_arithmetic3A_27, %add3A_48] : memref<256x128xi32, #tpu.memory_space<vmem>>[vector<16xi32>, vector<16xi32>], vector<16xi32>,
      %mul3A_50 = arith.constant 16 : i32
      %mul3A_51 = arith.muli %scan3A_10, %mul3A_50 : i32
      %add3A_52 = arith.constant 1 : i32
      %add3A_53 = arith.addi %mul3A_51, %add3A_52 : i32
      %swap3A_54 = arith.index_cast %add3A_53 : i32 to index
      %swap3A_55 = arith.constant 0 : index
      %swap3A_56 = tpu.vector_load %arg8[%swap3A_54, %swap3A_55] {strides = array<i32>} : memref<224x64xi32, #tpu.memory_space<vmem>>, vector<16xi32>,
      tpu.vector_store %arg8[%swap3A_54, %swap3A_55], %gather3A_49 {strides = array<i32>} : memref<224x64xi32, #tpu.memory_space<vmem>>, vector<16xi32>,
      %add3A_57 = arith.constant 8 : i32
      %add3A_58 = vector.broadcast %add3A_57 : i32 to vector<16xi32>
      %add3A_59 = arith.addi %mul3A_33, %add3A_58 : vector<16xi32>
      %add3A_60 = arith.addi %add3A_59, %and3A_4 : vector<16xi32>
      %gather3A_61 = tpu.vector_load_idx %arg6[%shift_right_arithmetic3A_27, %add3A_60] : memref<256x128xi32, #tpu.memory_space<vmem>>[vector<16xi32>, vector<16xi32>], vector<16xi32>,
      %mul3A_62 = arith.constant 16 : i32
      %mul3A_63 = arith.muli %scan3A_10, %mul3A_62 : i32
      %add3A_64 = arith.constant 2 : i32
      %add3A_65 = arith.addi %mul3A_63, %add3A_64 : i32
      %swap3A_66 = arith.index_cast %add3A_65 : i32 to index
      %swap3A_67 = arith.constant 0 : index
      %swap3A_68 = tpu.vector_load %arg8[%swap3A_66, %swap3A_67] {strides = array<i32>} : memref<224x64xi32, #tpu.memory_space<vmem>>, vector<16xi32>,
      tpu.vector_store %arg8[%swap3A_66, %swap3A_67], %gather3A_61 {strides = array<i32>} : memref<224x64xi32, #tpu.memory_space<vmem>>, vector<16xi32>,
      %add3A_69 = arith.constant 12 : i32
      %add3A_70 = vector.broadcast %add3A_69 : i32 to vector<16xi32>
      %add3A_71 = arith.addi %mul3A_33, %add3A_70 : vector<16xi32>
      %add3A_72 = arith.addi %add3A_71, %and3A_4 : vector<16xi32>
      %gather3A_73 = tpu.vector_load_idx %arg6[%shift_right_arithmetic3A_27, %add3A_72] : memref<256x128xi32, #tpu.memory_space<vmem>>[vector<16xi32>, vector<16xi32>], vector<16xi32>,
      %mul3A_74 = arith.constant 16 : i32
      %mul3A_75 = arith.muli %scan3A_10, %mul3A_74 : i32
      %add3A_76 = arith.constant 3 : i32
      %add3A_77 = arith.addi %mul3A_75, %add3A_76 : i32
      %swap3A_78 = arith.index_cast %add3A_77 : i32 to index
      %swap3A_79 = arith.constant 0 : index
      %swap3A_80 = tpu.vector_load %arg8[%swap3A_78, %swap3A_79] {strides = array<i32>} : memref<224x64xi32, #tpu.memory_space<vmem>>, vector<16xi32>,
      tpu.vector_store %arg8[%swap3A_78, %swap3A_79], %gather3A_73 {strides = array<i32>} : memref<224x64xi32, #tpu.memory_space<vmem>>, vector<16xi32>,
      %add3A_81 = arith.constant 16 : i32
      %add3A_82 = vector.broadcast %add3A_81 : i32 to vector<16xi32>
      %add3A_83 = arith.addi %mul3A_33, %add3A_82 : vector<16xi32>
      %add3A_84 = arith.addi %add3A_83, %and3A_4 : vector<16xi32>
      %gather3A_85 = tpu.vector_load_idx %arg6[%shift_right_arithmetic3A_27, %add3A_84] : memref<256x128xi32, #tpu.memory_space<vmem>>[vector<16xi32>, vector<16xi32>], vector<16xi32>,
      %mul3A_86 = arith.constant 16 : i32
      %mul3A_87 = arith.muli %scan3A_10, %mul3A_86 : i32
      %add3A_88 = arith.constant 4 : i32
      %add3A_89 = arith.addi %mul3A_87, %add3A_88 : i32
      %swap3A_90 = arith.index_cast %add3A_89 : i32 to index
      %swap3A_91 = arith.constant 0 : index
      %swap3A_92 = tpu.vector_load %arg8[%swap3A_90, %swap3A_91] {strides = array<i32>} : memref<224x64xi32, #tpu.memory_space<vmem>>, vector<16xi32>,
      tpu.vector_store %arg8[%swap3A_90, %swap3A_91], %gather3A_85 {strides = array<i32>} : memref<224x64xi32, #tpu.memory_space<vmem>>, vector<16xi32>,
      %add3A_93 = arith.constant 20 : i32
      %add3A_94 = vector.broadcast %add3A_93 : i32 to vector<16xi32>
      %add3A_95 = arith.addi %mul3A_33, %add3A_94 : vector<16xi32>
      %add3A_96 = arith.addi %add3A_95, %and3A_4 : vector<16xi32>
      %gather3A_97 = tpu.vector_load_idx %arg6[%shift_right_arithmetic3A_27, %add3A_96] : memref<256x128xi32, #tpu.memory_space<vmem>>[vector<16xi32>, vector<16xi32>], vector<16xi32>,
      %mul3A_98 = arith.constant 16 : i32
      %mul3A_99 = arith.muli %scan3A_10, %mul3A_98 : i32
      %add3A_100 = arith.constant 5 : i32
      %add3A_101 = arith.addi %mul3A_99, %add3A_100 : i32
      %swap3A_102 = arith.index_cast %add3A_101 : i32 to index
      %swap3A_103 = arith.constant 0 : index
      %swap3A_104 = tpu.vector_load %arg8[%swap3A_102, %swap3A_103] {strides = array<i32>} : memref<224x64xi32, #tpu.memory_space<vmem>>, vector<16xi32>,
      tpu.vector_store %arg8[%swap3A_102, %swap3A_103], %gather3A_97 {strides = array<i32>} : memref<224x64xi32, #tpu.memory_space<vmem>>, vector<16xi32>,
      %add3A_105 = arith.constant 24 : i32
      %add3A_106 = vector.broadcast %add3A_105 : i32 to vector<16xi32>
      %add3A_107 = arith.addi %mul3A_33, %add3A_106 : vector<16xi32>
      %add3A_108 = arith.addi %add3A_107, %and3A_4 : vector<16xi32>
      %gather3A_109 = tpu.vector_load_idx %arg6[%shift_right_arithmetic3A_27, %add3A_108] : memref<256x128xi32, #tpu.memory_space<vmem>>[vector<16xi32>, vector<16xi32>], vector<16xi32>,
      %mul3A_110 = arith.constant 16 : i32
      %mul3A_111 = arith.muli %scan3A_10, %mul3A_110 : i32
      %add3A_112 = arith.constant 6 : i32
      %add3A_113 = arith.addi %mul3A_111, %add3A_112 : i32
      %swap3A_114 = arith.index_cast %add3A_113 : i32 to index
      %swap3A_115 = arith.constant 0 : index
      %swap3A_116 = tpu.vector_load %arg8[%swap3A_114, %swap3A_115] {strides = array<i32>} : memref<224x64xi32, #tpu.memory_space<vmem>>, vector<16xi32>,
      tpu.vector_store %arg8[%swap3A_114, %swap3A_115], %gather3A_109 {strides = array<i32>} : memref<224x64xi32, #tpu.memory_space<vmem>>, vector<16xi32>,
      %add3A_117 = arith.constant 28 : i32
      %add3A_118 = vector.broadcast %add3A_117 : i32 to vector<16xi32>
      %add3A_119 = arith.addi %mul3A_33, %add3A_118 : vector<16xi32>
      %add3A_120 = arith.addi %add3A_119, %and3A_4 : vector<16xi32>
      %gather3A_121 = tpu.vector_load_idx %arg6[%shift_right_arithmetic3A_27, %add3A_120] : memref<256x128xi32, #tpu.memory_space<vmem>>[vector<16xi32>, vector<16xi32>], vector<16xi32>,
      %mul3A_122 = arith.constant 16 : i32
      %mul3A_123 = arith.muli %scan3A_10, %mul3A_122 : i32
      %add3A_124 = arith.constant 7 : i32
      %add3A_125 = arith.addi %mul3A_123, %add3A_124 : i32
      %swap3A_126 = arith.index_cast %add3A_125 : i32 to index
      %swap3A_127 = arith.constant 0 : index
      %swap3A_128 = tpu.vector_load %arg8[%swap3A_126, %swap3A_127] {strides = array<i32>} : memref<224x64xi32, #tpu.memory_space<vmem>>, vector<16xi32>,
      tpu.vector_store %arg8[%swap3A_126, %swap3A_127], %gather3A_121 {strides = array<i32>} : memref<224x64xi32, #tpu.memory_space<vmem>>, vector<16xi32>,
      %add3A_129 = arith.constant 32 : i32
      %add3A_130 = vector.broadcast %add3A_129 : i32 to vector<16xi32>
      %add3A_131 = arith.addi %mul3A_33, %add3A_130 : vector<16xi32>
      %add3A_132 = arith.addi %add3A_131, %and3A_4 : vector<16xi32>
      %gather3A_133 = tpu.vector_load_idx %arg6[%shift_right_arithmetic3A_27, %add3A_132] : memref<256x128xi32, #tpu.memory_space<vmem>>[vector<16xi32>, vector<16xi32>], vector<16xi32>,
      %mul3A_134 = arith.constant 16 : i32
      %mul3A_135 = arith.muli %scan3A_10, %mul3A_134 : i32
      %add3A_136 = arith.constant 8 : i32
      %add3A_137 = arith.addi %mul3A_135, %add3A_136 : i32
      %swap3A_138 = arith.index_cast %add3A_137 : i32 to index
      %swap3A_139 = arith.constant 0 : index
      %swap3A_140 = tpu.vector_load %arg8[%swap3A_138, %swap3A_139] {strides = array<i32>} : memref<224x64xi32, #tpu.memory_space<vmem>>, vector<16xi32>,
      tpu.vector_store %arg8[%swap3A_138, %swap3A_139], %gather3A_133 {strides = array<i32>} : memref<224x64xi32, #tpu.memory_space<vmem>>, vector<16xi32>,
      %add3A_141 = arith.constant 36 : i32
      %add3A_142 = vector.broadcast %add3A_141 : i32 to vector<16xi32>
      %add3A_143 = arith.addi %mul3A_33, %add3A_142 : vector<16xi32>
      %add3A_144 = arith.addi %add3A_143, %and3A_4 : vector<16xi32>
      %gather3A_145 = tpu.vector_load_idx %arg6[%shift_right_arithmetic3A_27, %add3A_144] : memref<256x128xi32, #tpu.memory_space<vmem>>[vector<16xi32>, vector<16xi32>], vector<16xi32>,
      %mul3A_146 = arith.constant 16 : i32
      %mul3A_147 = arith.muli %scan3A_10, %mul3A_146 : i32
      %add3A_148 = arith.constant 9 : i32
      %add3A_149 = arith.addi %mul3A_147, %add3A_148 : i32
      %swap3A_150 = arith.index_cast %add3A_149 : i32 to index
      %swap3A_151 = arith.constant 0 : index
      %swap3A_152 = tpu.vector_load %arg8[%swap3A_150, %swap3A_151] {strides = array<i32>} : memref<224x64xi32, #tpu.memory_space<vmem>>, vector<16xi32>,
      tpu.vector_store %arg8[%swap3A_150, %swap3A_151], %gather3A_145 {strides = array<i32>} : memref<224x64xi32, #tpu.memory_space<vmem>>, vector<16xi32>,
      %add3A_153 = arith.constant 40 : i32
      %add3A_154 = vector.broadcast %add3A_153 : i32 to vector<16xi32>
      %add3A_155 = arith.addi %mul3A_33, %add3A_154 : vector<16xi32>
      %add3A_156 = arith.addi %add3A_155, %and3A_4 : vector<16xi32>
      %gather3A_157 = tpu.vector_load_idx %arg6[%shift_right_arithmetic3A_27, %add3A_156] : memref<256x128xi32, #tpu.memory_space<vmem>>[vector<16xi32>, vector<16xi32>], vector<16xi32>,
      %mul3A_158 = arith.constant 16 : i32
      %mul3A_159 = arith.muli %scan3A_10, %mul3A_158 : i32
      %add3A_160 = arith.constant 10 : i32
      %add3A_161 = arith.addi %mul3A_159, %add3A_160 : i32
      %swap3A_162 = arith.index_cast %add3A_161 : i32 to index
      %swap3A_163 = arith.constant 0 : index
      %swap3A_164 = tpu.vector_load %arg8[%swap3A_162, %swap3A_163] {strides = array<i32>} : memref<224x64xi32, #tpu.memory_space<vmem>>, vector<16xi32>,
      tpu.vector_store %arg8[%swap3A_162, %swap3A_163], %gather3A_157 {strides = array<i32>} : memref<224x64xi32, #tpu.memory_space<vmem>>, vector<16xi32>,
      %add3A_165 = arith.constant 44 : i32
      %add3A_166 = vector.broadcast %add3A_165 : i32 to vector<16xi32>
      %add3A_167 = arith.addi %mul3A_33, %add3A_166 : vector<16xi32>
      %add3A_168 = arith.addi %add3A_167, %and3A_4 : vector<16xi32>
      %gather3A_169 = tpu.vector_load_idx %arg6[%shift_right_arithmetic3A_27, %add3A_168] : memref<256x128xi32, #tpu.memory_space<vmem>>[vector<16xi32>, vector<16xi32>], vector<16xi32>,
      %mul3A_170 = arith.constant 16 : i32
      %mul3A_171 = arith.muli %scan3A_10, %mul3A_170 : i32
      %add3A_172 = arith.constant 11 : i32
      %add3A_173 = arith.addi %mul3A_171, %add3A_172 : i32
      %swap3A_174 = arith.index_cast %add3A_173 : i32 to index
      %swap3A_175 = arith.constant 0 : index
      %swap3A_176 = tpu.vector_load %arg8[%swap3A_174, %swap3A_175] {strides = array<i32>} : memref<224x64xi32, #tpu.memory_space<vmem>>, vector<16xi32>,
      tpu.vector_store %arg8[%swap3A_174, %swap3A_175], %gather3A_169 {strides = array<i32>} : memref<224x64xi32, #tpu.memory_space<vmem>>, vector<16xi32>,
      %add3A_177 = arith.constant 48 : i32
      %add3A_178 = vector.broadcast %add3A_177 : i32 to vector<16xi32>
      %add3A_179 = arith.addi %mul3A_33, %add3A_178 : vector<16xi32>
      %add3A_180 = arith.addi %add3A_179, %and3A_4 : vector<16xi32>
      %gather3A_181 = tpu.vector_load_idx %arg6[%shift_right_arithmetic3A_27, %add3A_180] : memref<256x128xi32, #tpu.memory_space<vmem>>[vector<16xi32>, vector<16xi32>], vector<16xi32>,
      %mul3A_182 = arith.constant 16 : i32
      %mul3A_183 = arith.muli %scan3A_10, %mul3A_182 : i32
      %add3A_184 = arith.constant 12 : i32
      %add3A_185 = arith.addi %mul3A_183, %add3A_184 : i32
      %swap3A_186 = arith.index_cast %add3A_185 : i32 to index
      %swap3A_187 = arith.constant 0 : index
      %swap3A_188 = tpu.vector_load %arg8[%swap3A_186, %swap3A_187] {strides = array<i32>} : memref<224x64xi32, #tpu.memory_space<vmem>>, vector<16xi32>,
      tpu.vector_store %arg8[%swap3A_186, %swap3A_187], %gather3A_181 {strides = array<i32>} : memref<224x64xi32, #tpu.memory_space<vmem>>, vector<16xi32>,
      %add3A_189 = arith.constant 52 : i32
      %add3A_190 = vector.broadcast %add3A_189 : i32 to vector<16xi32>
      %add3A_191 = arith.addi %mul3A_33, %add3A_190 : vector<16xi32>
      %add3A_192 = arith.addi %add3A_191, %and3A_4 : vector<16xi32>
      %gather3A_193 = tpu.vector_load_idx %arg6[%shift_right_arithmetic3A_27, %add3A_192] : memref<256x128xi32, #tpu.memory_space<vmem>>[vector<16xi32>, vector<16xi32>], vector<16xi32>,
      %mul3A_194 = arith.constant 16 : i32
      %mul3A_195 = arith.muli %scan3A_10, %mul3A_194 : i32
      %add3A_196 = arith.constant 13 : i32
      %add3A_197 = arith.addi %mul3A_195, %add3A_196 : i32
      %swap3A_198 = arith.index_cast %add3A_197 : i32 to index
      %swap3A_199 = arith.constant 0 : index
      %swap3A_200 = tpu.vector_load %arg8[%swap3A_198, %swap3A_199] {strides = array<i32>} : memref<224x64xi32, #tpu.memory_space<vmem>>, vector<16xi32>,
      tpu.vector_store %arg8[%swap3A_198, %swap3A_199], %gather3A_193 {strides = array<i32>} : memref<224x64xi32, #tpu.memory_space<vmem>>, vector<16xi32>,
      %add3A_201 = arith.constant 56 : i32
      %add3A_202 = vector.broadcast %add3A_201 : i32 to vector<16xi32>
      %add3A_203 = arith.addi %mul3A_33, %add3A_202 : vector<16xi32>
      %add3A_204 = arith.addi %add3A_203, %and3A_4 : vector<16xi32>
      %gather3A_205 = tpu.vector_load_idx %arg6[%shift_right_arithmetic3A_27, %add3A_204] : memref<256x128xi32, #tpu.memory_space<vmem>>[vector<16xi32>, vector<16xi32>], vector<16xi32>,
      %mul3A_206 = arith.constant 16 : i32
      %mul3A_207 = arith.muli %scan3A_10, %mul3A_206 : i32
      %add3A_208 = arith.constant 14 : i32
      %add3A_209 = arith.addi %mul3A_207, %add3A_208 : i32
      %swap3A_210 = arith.index_cast %add3A_209 : i32 to index
      %swap3A_211 = arith.constant 0 : index
      %swap3A_212 = tpu.vector_load %arg8[%swap3A_210, %swap3A_211] {strides = array<i32>} : memref<224x64xi32, #tpu.memory_space<vmem>>, vector<16xi32>,
      tpu.vector_store %arg8[%swap3A_210, %swap3A_211], %gather3A_205 {strides = array<i32>} : memref<224x64xi32, #tpu.memory_space<vmem>>, vector<16xi32>,
      %add3A_213 = arith.constant 60 : i32
      %add3A_214 = vector.broadcast %add3A_213 : i32 to vector<16xi32>
      %add3A_215 = arith.addi %mul3A_33, %add3A_214 : vector<16xi32>
      %add3A_216 = arith.addi %add3A_215, %and3A_4 : vector<16xi32>
      %gather3A_217 = tpu.vector_load_idx %arg6[%shift_right_arithmetic3A_27, %add3A_216] : memref<256x128xi32, #tpu.memory_space<vmem>>[vector<16xi32>, vector<16xi32>], vector<16xi32>,
      %mul3A_218 = arith.constant 16 : i32
      %mul3A_219 = arith.muli %scan3A_10, %mul3A_218 : i32
      %add3A_220 = arith.constant 15 : i32
      %add3A_221 = arith.addi %mul3A_219, %add3A_220 : i32
      %swap3A_222 = arith.index_cast %add3A_221 : i32 to index
      %swap3A_223 = arith.constant 0 : index
      %swap3A_224 = tpu.vector_load %arg8[%swap3A_222, %swap3A_223] {strides = array<i32>} : memref<224x64xi32, #tpu.memory_space<vmem>>, vector<16xi32>,
      tpu.vector_store %arg8[%swap3A_222, %swap3A_223], %gather3A_217 {strides = array<i32>} : memref<224x64xi32, #tpu.memory_space<vmem>>, vector<16xi32>,
      %mul3A_225 = arith.constant 14 : i32
      %mul3A_226 = arith.muli %scan3A_10, %mul3A_225 : i32
      %add3A_227 = arith.constant 4 : i32
      %add3A_228 = arith.addi %mul3A_226, %add3A_227 : i32
      %shift_right_arithmetic3A_229 = arith.constant 2 : i32
      %shift_right_arithmetic3A_230 = vector.broadcast %shift_right_arithmetic3A_229 : i32 to vector<16xi32>
      %shift_right_arithmetic3A_231 = arith.shrsi %iota3A, %shift_right_arithmetic3A_230 : vector<16xi32>
      %add3A_232 = vector.broadcast %add3A_228 : i32 to vector<16xi32>
      %add3A_233 = arith.addi %add3A_232, %shift_right_arithmetic3A_231 : vector<16xi32>
      %shift_right_arithmetic3A_234 = arith.constant 7 : i32
      %shift_right_arithmetic3A_235 = vector.broadcast %shift_right_arithmetic3A_234 : i32 to vector<16xi32>
      %shift_right_arithmetic3A_236 = arith.shrsi %add3A_233, %shift_right_arithmetic3A_235 : vector<16xi32>
      %and3A_237 = arith.constant 127 : i32
      %and3A_238 = vector.broadcast %and3A_237 : i32 to vector<16xi32>
      %and3A_239 = arith.andi %add3A_233, %and3A_238 : vector<16xi32>
      %gather3A_240 = tpu.vector_load_idx %arg7[%shift_right_arithmetic3A_236, %and3A_239] : memref<2x128xi32, #tpu.memory_space<vmem>>[vector<16xi32>, vector<16xi32>], vector<16xi32>,
      %shift_right_arithmetic3A_241 = arith.constant 1 : i32
      %shift_right_arithmetic3A_242 = vector.broadcast %shift_right_arithmetic3A_241 : i32 to vector<16xi32>
      %shift_right_arithmetic3A_243 = arith.shrsi %gather3A_240, %shift_right_arithmetic3A_242 : vector<16xi32>
      %and3A_244 = arith.constant 1 : i32
      %and3A_245 = vector.broadcast %and3A_244 : i32 to vector<16xi32>
      %and3A_246 = arith.andi %gather3A_240, %and3A_245 : vector<16xi32>
      %mul3A_247 = arith.constant 64 : i32
      %mul3A_248 = vector.broadcast %mul3A_247 : i32 to vector<16xi32>
      %mul3A_249 = arith.muli %and3A_246, %mul3A_248 : vector<16xi32>
      %add3A_250 = arith.constant 0 : i32
      %add3A_251 = vector.broadcast %add3A_250 : i32 to vector<16xi32>
      %add3A_252 = arith.addi %mul3A_249, %add3A_251 : vector<16xi32>
      %add3A_253 = arith.addi %add3A_252, %and3A_4 : vector<16xi32>
      %gather3A_254 = tpu.vector_load_idx %arg6[%shift_right_arithmetic3A_243, %add3A_253] : memref<256x128xi32, #tpu.memory_space<vmem>>[vector<16xi32>, vector<16xi32>], vector<16xi32>,
      %mul3A_255 = arith.constant 16 : i32
      %mul3A_256 = arith.muli %scan3A_10, %mul3A_255 : i32
      %add3A_257 = arith.constant 0 : i32
      %add3A_258 = arith.addi %mul3A_256, %add3A_257 : i32
      %swap3A_259 = arith.index_cast %add3A_258 : i32 to index
      %swap3A_260 = arith.constant 16 : index
      %swap3A_261 = tpu.vector_load %arg8[%swap3A_259, %swap3A_260] {strides = array<i32>} : memref<224x64xi32, #tpu.memory_space<vmem>>, vector<16xi32>,
      tpu.vector_store %arg8[%swap3A_259, %swap3A_260], %gather3A_254 {strides = array<i32>} : memref<224x64xi32, #tpu.memory_space<vmem>>, vector<16xi32>,
      %add3A_262 = arith.constant 4 : i32
      %add3A_263 = vector.broadcast %add3A_262 : i32 to vector<16xi32>
      %add3A_264 = arith.addi %mul3A_249, %add3A_263 : vector<16xi32>
      %add3A_265 = arith.addi %add3A_264, %and3A_4 : vector<16xi32>
      %gather3A_266 = tpu.vector_load_idx %arg6[%shift_right_arithmetic3A_243, %add3A_265] : memref<256x128xi32, #tpu.memory_space<vmem>>[vector<16xi32>, vector<16xi32>], vector<16xi32>,
      %mul3A_267 = arith.constant 16 : i32
      %mul3A_268 = arith.muli %scan3A_10, %mul3A_267 : i32
      %add3A_269 = arith.constant 1 : i32
      %add3A_270 = arith.addi %mul3A_268, %add3A_269 : i32
      %swap3A_271 = arith.index_cast %add3A_270 : i32 to index
      %swap3A_272 = arith.constant 16 : index
      %swap3A_273 = tpu.vector_load %arg8[%swap3A_271, %swap3A_272] {strides = array<i32>} : memref<224x64xi32, #tpu.memory_space<vmem>>, vector<16xi32>,
      tpu.vector_store %arg8[%swap3A_271, %swap3A_272], %gather3A_266 {strides = array<i32>} : memref<224x64xi32, #tpu.memory_space<vmem>>, vector<16xi32>,
      %add3A_274 = arith.constant 8 : i32
      %add3A_275 = vector.broadcast %add3A_274 : i32 to vector<16xi32>
      %add3A_276 = arith.addi %mul3A_249, %add3A_275 : vector<16xi32>
      %add3A_277 = arith.addi %add3A_276, %and3A_4 : vector<16xi32>
      %gather3A_278 = tpu.vector_load_idx %arg6[%shift_right_arithmetic3A_243, %add3A_277] : memref<256x128xi32, #tpu.memory_space<vmem>>[vector<16xi32>, vector<16xi32>], vector<16xi32>,
      %mul3A_279 = arith.constant 16 : i32
      %mul3A_280 = arith.muli %scan3A_10, %mul3A_279 : i32
      %add3A_281 = arith.constant 2 : i32
      %add3A_282 = arith.addi %mul3A_280, %add3A_281 : i32
      %swap3A_283 = arith.index_cast %add3A_282 : i32 to index
      %swap3A_284 = arith.constant 16 : index
      %swap3A_285 = tpu.vector_load %arg8[%swap3A_283, %swap3A_284] {strides = array<i32>} : memref<224x64xi32, #tpu.memory_space<vmem>>, vector<16xi32>,
      tpu.vector_store %arg8[%swap3A_283, %swap3A_284], %gather3A_278 {strides = array<i32>} : memref<224x64xi32, #tpu.memory_space<vmem>>, vector<16xi32>,
      %add3A_286 = arith.constant 12 : i32
      %add3A_287 = vector.broadcast %add3A_286 : i32 to vector<16xi32>
      %add3A_288 = arith.addi %mul3A_249, %add3A_287 : vector<16xi32>
      %add3A_289 = arith.addi %add3A_288, %and3A_4 : vector<16xi32>
      %gather3A_290 = tpu.vector_load_idx %arg6[%shift_right_arithmetic3A_243, %add3A_289] : memref<256x128xi32, #tpu.memory_space<vmem>>[vector<16xi32>, vector<16xi32>], vector<16xi32>,
      %mul3A_291 = arith.constant 16 : i32
      %mul3A_292 = arith.muli %scan3A_10, %mul3A_291 : i32
      %add3A_293 = arith.constant 3 : i32
      %add3A_294 = arith.addi %mul3A_292, %add3A_293 : i32
      %swap3A_295 = arith.index_cast %add3A_294 : i32 to index
      %swap3A_296 = arith.constant 16 : index
      %swap3A_297 = tpu.vector_load %arg8[%swap3A_295, %swap3A_296] {strides = array<i32>} : memref<224x64xi32, #tpu.memory_space<vmem>>, vector<16xi32>,
      tpu.vector_store %arg8[%swap3A_295, %swap3A_296], %gather3A_290 {strides = array<i32>} : memref<224x64xi32, #tpu.memory_space<vmem>>, vector<16xi32>,
      %add3A_298 = arith.constant 16 : i32
      %add3A_299 = vector.broadcast %add3A_298 : i32 to vector<16xi32>
      %add3A_300 = arith.addi %mul3A_249, %add3A_299 : vector<16xi32>
      %add3A_301 = arith.addi %add3A_300, %and3A_4 : vector<16xi32>
      %gather3A_302 = tpu.vector_load_idx %arg6[%shift_right_arithmetic3A_243, %add3A_301] : memref<256x128xi32, #tpu.memory_space<vmem>>[vector<16xi32>, vector<16xi32>], vector<16xi32>,
      %mul3A_303 = arith.constant 16 : i32
      %mul3A_304 = arith.muli %scan3A_10, %mul3A_303 : i32
      %add3A_305 = arith.constant 4 : i32
      %add3A_306 = arith.addi %mul3A_304, %add3A_305 : i32
      %swap3A_307 = arith.index_cast %add3A_306 : i32 to index
      %swap3A_308 = arith.constant 16 : index
      %swap3A_309 = tpu.vector_load %arg8[%swap3A_307, %swap3A_308] {strides = array<i32>} : memref<224x64xi32, #tpu.memory_space<vmem>>, vector<16xi32>,
      tpu.vector_store %arg8[%swap3A_307, %swap3A_308], %gather3A_302 {strides = array<i32>} : memref<224x64xi32, #tpu.memory_space<vmem>>, vector<16xi32>,
      %add3A_310 = arith.constant 20 : i32
      %add3A_311 = vector.broadcast %add3A_310 : i32 to vector<16xi32>
      %add3A_312 = arith.addi %mul3A_249, %add3A_311 : vector<16xi32>
      %add3A_313 = arith.addi %add3A_312, %and3A_4 : vector<16xi32>
      %gather3A_314 = tpu.vector_load_idx %arg6[%shift_right_arithmetic3A_243, %add3A_313] : memref<256x128xi32, #tpu.memory_space<vmem>>[vector<16xi32>, vector<16xi32>], vector<16xi32>,
      %mul3A_315 = arith.constant 16 : i32
      %mul3A_316 = arith.muli %scan3A_10, %mul3A_315 : i32
      %add3A_317 = arith.constant 5 : i32
      %add3A_318 = arith.addi %mul3A_316, %add3A_317 : i32
      %swap3A_319 = arith.index_cast %add3A_318 : i32 to index
      %swap3A_320 = arith.constant 16 : index
      %swap3A_321 = tpu.vector_load %arg8[%swap3A_319, %swap3A_320] {strides = array<i32>} : memref<224x64xi32, #tpu.memory_space<vmem>>, vector<16xi32>,
      tpu.vector_store %arg8[%swap3A_319, %swap3A_320], %gather3A_314 {strides = array<i32>} : memref<224x64xi32, #tpu.memory_space<vmem>>, vector<16xi32>,
      %add3A_322 = arith.constant 24 : i32
      %add3A_323 = vector.broadcast %add3A_322 : i32 to vector<16xi32>
      %add3A_324 = arith.addi %mul3A_249, %add3A_323 : vector<16xi32>
      %add3A_325 = arith.addi %add3A_324, %and3A_4 : vector<16xi32>
      %gather3A_326 = tpu.vector_load_idx %arg6[%shift_right_arithmetic3A_243, %add3A_325] : memref<256x128xi32, #tpu.memory_space<vmem>>[vector<16xi32>, vector<16xi32>], vector<16xi32>,
      %mul3A_327 = arith.constant 16 : i32
      %mul3A_328 = arith.muli %scan3A_10, %mul3A_327 : i32
      %add3A_329 = arith.constant 6 : i32
      %add3A_330 = arith.addi %mul3A_328, %add3A_329 : i32
      %swap3A_331 = arith.index_cast %add3A_330 : i32 to index
      %swap3A_332 = arith.constant 16 : index
      %swap3A_333 = tpu.vector_load %arg8[%swap3A_331, %swap3A_332] {strides = array<i32>} : memref<224x64xi32, #tpu.memory_space<vmem>>, vector<16xi32>,
      tpu.vector_store %arg8[%swap3A_331, %swap3A_332], %gather3A_326 {strides = array<i32>} : memref<224x64xi32, #tpu.memory_space<vmem>>, vector<16xi32>,
      %add3A_334 = arith.constant 28 : i32
      %add3A_335 = vector.broadcast %add3A_334 : i32 to vector<16xi32>
      %add3A_336 = arith.addi %mul3A_249, %add3A_335 : vector<16xi32>
      %add3A_337 = arith.addi %add3A_336, %and3A_4 : vector<16xi32>
      %gather3A_338 = tpu.vector_load_idx %arg6[%shift_right_arithmetic3A_243, %add3A_337] : memref<256x128xi32, #tpu.memory_space<vmem>>[vector<16xi32>, vector<16xi32>], vector<16xi32>,
      %mul3A_339 = arith.constant 16 : i32
      %mul3A_340 = arith.muli %scan3A_10, %mul3A_339 : i32
      %add3A_341 = arith.constant 7 : i32
      %add3A_342 = arith.addi %mul3A_340, %add3A_341 : i32
      %swap3A_343 = arith.index_cast %add3A_342 : i32 to index
      %swap3A_344 = arith.constant 16 : index
      %swap3A_345 = tpu.vector_load %arg8[%swap3A_343, %swap3A_344] {strides = array<i32>} : memref<224x64xi32, #tpu.memory_space<vmem>>, vector<16xi32>,
      tpu.vector_store %arg8[%swap3A_343, %swap3A_344], %gather3A_338 {strides = array<i32>} : memref<224x64xi32, #tpu.memory_space<vmem>>, vector<16xi32>,
      %add3A_346 = arith.constant 32 : i32
      %add3A_347 = vector.broadcast %add3A_346 : i32 to vector<16xi32>
      %add3A_348 = arith.addi %mul3A_249, %add3A_347 : vector<16xi32>
      %add3A_349 = arith.addi %add3A_348, %and3A_4 : vector<16xi32>
      %gather3A_350 = tpu.vector_load_idx %arg6[%shift_right_arithmetic3A_243, %add3A_349] : memref<256x128xi32, #tpu.memory_space<vmem>>[vector<16xi32>, vector<16xi32>], vector<16xi32>,
      %mul3A_351 = arith.constant 16 : i32
      %mul3A_352 = arith.muli %scan3A_10, %mul3A_351 : i32
      %add3A_353 = arith.constant 8 : i32
      %add3A_354 = arith.addi %mul3A_352, %add3A_353 : i32
      %swap3A_355 = arith.index_cast %add3A_354 : i32 to index
      %swap3A_356 = arith.constant 16 : index
      %swap3A_357 = tpu.vector_load %arg8[%swap3A_355, %swap3A_356] {strides = array<i32>} : memref<224x64xi32, #tpu.memory_space<vmem>>, vector<16xi32>,
      tpu.vector_store %arg8[%swap3A_355, %swap3A_356], %gather3A_350 {strides = array<i32>} : memref<224x64xi32, #tpu.memory_space<vmem>>, vector<16xi32>,
      %add3A_358 = arith.constant 36 : i32
      %add3A_359 = vector.broadcast %add3A_358 : i32 to vector<16xi32>
      %add3A_360 = arith.addi %mul3A_249, %add3A_359 : vector<16xi32>
      %add3A_361 = arith.addi %add3A_360, %and3A_4 : vector<16xi32>
      %gather3A_362 = tpu.vector_load_idx %arg6[%shift_right_arithmetic3A_243, %add3A_361] : memref<256x128xi32, #tpu.memory_space<vmem>>[vector<16xi32>, vector<16xi32>], vector<16xi32>,
      %mul3A_363 = arith.constant 16 : i32
      %mul3A_364 = arith.muli %scan3A_10, %mul3A_363 : i32
      %add3A_365 = arith.constant 9 : i32
      %add3A_366 = arith.addi %mul3A_364, %add3A_365 : i32
      %swap3A_367 = arith.index_cast %add3A_366 : i32 to index
      %swap3A_368 = arith.constant 16 : index
      %swap3A_369 = tpu.vector_load %arg8[%swap3A_367, %swap3A_368] {strides = array<i32>} : memref<224x64xi32, #tpu.memory_space<vmem>>, vector<16xi32>,
      tpu.vector_store %arg8[%swap3A_367, %swap3A_368], %gather3A_362 {strides = array<i32>} : memref<224x64xi32, #tpu.memory_space<vmem>>, vector<16xi32>,
      %add3A_370 = arith.constant 40 : i32
      %add3A_371 = vector.broadcast %add3A_370 : i32 to vector<16xi32>
      %add3A_372 = arith.addi %mul3A_249, %add3A_371 : vector<16xi32>
      %add3A_373 = arith.addi %add3A_372, %and3A_4 : vector<16xi32>
      %gather3A_374 = tpu.vector_load_idx %arg6[%shift_right_arithmetic3A_243, %add3A_373] : memref<256x128xi32, #tpu.memory_space<vmem>>[vector<16xi32>, vector<16xi32>], vector<16xi32>,
      %mul3A_375 = arith.constant 16 : i32
      %mul3A_376 = arith.muli %scan3A_10, %mul3A_375 : i32
      %add3A_377 = arith.constant 10 : i32
      %add3A_378 = arith.addi %mul3A_376, %add3A_377 : i32
      %swap3A_379 = arith.index_cast %add3A_378 : i32 to index
      %swap3A_380 = arith.constant 16 : index
      %swap3A_381 = tpu.vector_load %arg8[%swap3A_379, %swap3A_380] {strides = array<i32>} : memref<224x64xi32, #tpu.memory_space<vmem>>, vector<16xi32>,
      tpu.vector_store %arg8[%swap3A_379, %swap3A_380], %gather3A_374 {strides = array<i32>} : memref<224x64xi32, #tpu.memory_space<vmem>>, vector<16xi32>,
      %add3A_382 = arith.constant 44 : i32
      %add3A_383 = vector.broadcast %add3A_382 : i32 to vector<16xi32>
      %add3A_384 = arith.addi %mul3A_249, %add3A_383 : vector<16xi32>
      %add3A_385 = arith.addi %add3A_384, %and3A_4 : vector<16xi32>
      %gather3A_386 = tpu.vector_load_idx %arg6[%shift_right_arithmetic3A_243, %add3A_385] : memref<256x128xi32, #tpu.memory_space<vmem>>[vector<16xi32>, vector<16xi32>], vector<16xi32>,
      %mul3A_387 = arith.constant 16 : i32
      %mul3A_388 = arith.muli %scan3A_10, %mul3A_387 : i32
      %add3A_389 = arith.constant 11 : i32
      %add3A_390 = arith.addi %mul3A_388, %add3A_389 : i32
      %swap3A_391 = arith.index_cast %add3A_390 : i32 to index
      %swap3A_392 = arith.constant 16 : index
      %swap3A_393 = tpu.vector_load %arg8[%swap3A_391, %swap3A_392] {strides = array<i32>} : memref<224x64xi32, #tpu.memory_space<vmem>>, vector<16xi32>,
      tpu.vector_store %arg8[%swap3A_391, %swap3A_392], %gather3A_386 {strides = array<i32>} : memref<224x64xi32, #tpu.memory_space<vmem>>, vector<16xi32>,
      %add3A_394 = arith.constant 48 : i32
      %add3A_395 = vector.broadcast %add3A_394 : i32 to vector<16xi32>
      %add3A_396 = arith.addi %mul3A_249, %add3A_395 : vector<16xi32>
      %add3A_397 = arith.addi %add3A_396, %and3A_4 : vector<16xi32>
      %gather3A_398 = tpu.vector_load_idx %arg6[%shift_right_arithmetic3A_243, %add3A_397] : memref<256x128xi32, #tpu.memory_space<vmem>>[vector<16xi32>, vector<16xi32>], vector<16xi32>,
      %mul3A_399 = arith.constant 16 : i32
      %mul3A_400 = arith.muli %scan3A_10, %mul3A_399 : i32
      %add3A_401 = arith.constant 12 : i32
      %add3A_402 = arith.addi %mul3A_400, %add3A_401 : i32
      %swap3A_403 = arith.index_cast %add3A_402 : i32 to index
      %swap3A_404 = arith.constant 16 : index
      %swap3A_405 = tpu.vector_load %arg8[%swap3A_403, %swap3A_404] {strides = array<i32>} : memref<224x64xi32, #tpu.memory_space<vmem>>, vector<16xi32>,
      tpu.vector_store %arg8[%swap3A_403, %swap3A_404], %gather3A_398 {strides = array<i32>} : memref<224x64xi32, #tpu.memory_space<vmem>>, vector<16xi32>,
      %add3A_406 = arith.constant 52 : i32
      %add3A_407 = vector.broadcast %add3A_406 : i32 to vector<16xi32>
      %add3A_408 = arith.addi %mul3A_249, %add3A_407 : vector<16xi32>
      %add3A_409 = arith.addi %add3A_408, %and3A_4 : vector<16xi32>
      %gather3A_410 = tpu.vector_load_idx %arg6[%shift_right_arithmetic3A_243, %add3A_409] : memref<256x128xi32, #tpu.memory_space<vmem>>[vector<16xi32>, vector<16xi32>], vector<16xi32>,
      %mul3A_411 = arith.constant 16 : i32
      %mul3A_412 = arith.muli %scan3A_10, %mul3A_411 : i32
      %add3A_413 = arith.constant 13 : i32
      %add3A_414 = arith.addi %mul3A_412, %add3A_413 : i32
      %swap3A_415 = arith.index_cast %add3A_414 : i32 to index
      %swap3A_416 = arith.constant 16 : index
      %swap3A_417 = tpu.vector_load %arg8[%swap3A_415, %swap3A_416] {strides = array<i32>} : memref<224x64xi32, #tpu.memory_space<vmem>>, vector<16xi32>,
      tpu.vector_store %arg8[%swap3A_415, %swap3A_416], %gather3A_410 {strides = array<i32>} : memref<224x64xi32, #tpu.memory_space<vmem>>, vector<16xi32>,
      %add3A_418 = arith.constant 56 : i32
      %add3A_419 = vector.broadcast %add3A_418 : i32 to vector<16xi32>
      %add3A_420 = arith.addi %mul3A_249, %add3A_419 : vector<16xi32>
      %add3A_421 = arith.addi %add3A_420, %and3A_4 : vector<16xi32>
      %gather3A_422 = tpu.vector_load_idx %arg6[%shift_right_arithmetic3A_243, %add3A_421] : memref<256x128xi32, #tpu.memory_space<vmem>>[vector<16xi32>, vector<16xi32>], vector<16xi32>,
      %mul3A_423 = arith.constant 16 : i32
      %mul3A_424 = arith.muli %scan3A_10, %mul3A_423 : i32
      %add3A_425 = arith.constant 14 : i32
      %add3A_426 = arith.addi %mul3A_424, %add3A_425 : i32
      %swap3A_427 = arith.index_cast %add3A_426 : i32 to index
      %swap3A_428 = arith.constant 16 : index
      %swap3A_429 = tpu.vector_load %arg8[%swap3A_427, %swap3A_428] {strides = array<i32>} : memref<224x64xi32, #tpu.memory_space<vmem>>, vector<16xi32>,
      tpu.vector_store %arg8[%swap3A_427, %swap3A_428], %gather3A_422 {strides = array<i32>} : memref<224x64xi32, #tpu.memory_space<vmem>>, vector<16xi32>,
      %add3A_430 = arith.constant 60 : i32
      %add3A_431 = vector.broadcast %add3A_430 : i32 to vector<16xi32>
      %add3A_432 = arith.addi %mul3A_249, %add3A_431 : vector<16xi32>
      %add3A_433 = arith.addi %add3A_432, %and3A_4 : vector<16xi32>
      %gather3A_434 = tpu.vector_load_idx %arg6[%shift_right_arithmetic3A_243, %add3A_433] : memref<256x128xi32, #tpu.memory_space<vmem>>[vector<16xi32>, vector<16xi32>], vector<16xi32>,
      %mul3A_435 = arith.constant 16 : i32
      %mul3A_436 = arith.muli %scan3A_10, %mul3A_435 : i32
      %add3A_437 = arith.constant 15 : i32
      %add3A_438 = arith.addi %mul3A_436, %add3A_437 : i32
      %swap3A_439 = arith.index_cast %add3A_438 : i32 to index
      %swap3A_440 = arith.constant 16 : index
      %swap3A_441 = tpu.vector_load %arg8[%swap3A_439, %swap3A_440] {strides = array<i32>} : memref<224x64xi32, #tpu.memory_space<vmem>>, vector<16xi32>,
      tpu.vector_store %arg8[%swap3A_439, %swap3A_440], %gather3A_434 {strides = array<i32>} : memref<224x64xi32, #tpu.memory_space<vmem>>, vector<16xi32>,
      %mul3A_442 = arith.constant 14 : i32
      %mul3A_443 = arith.muli %scan3A_10, %mul3A_442 : i32
      %add3A_444 = arith.constant 8 : i32
      %add3A_445 = arith.addi %mul3A_443, %add3A_444 : i32
      %shift_right_arithmetic3A_446 = arith.constant 2 : i32
      %shift_right_arithmetic3A_447 = vector.broadcast %shift_right_arithmetic3A_446 : i32 to vector<16xi32>
      %shift_right_arithmetic3A_448 = arith.shrsi %iota3A, %shift_right_arithmetic3A_447 : vector<16xi32>
      %add3A_449 = vector.broadcast %add3A_445 : i32 to vector<16xi32>
      %add3A_450 = arith.addi %add3A_449, %shift_right_arithmetic3A_448 : vector<16xi32>
      %shift_right_arithmetic3A_451 = arith.constant 7 : i32
      %shift_right_arithmetic3A_452 = vector.broadcast %shift_right_arithmetic3A_451 : i32 to vector<16xi32>
      %shift_right_arithmetic3A_453 = arith.shrsi %add3A_450, %shift_right_arithmetic3A_452 : vector<16xi32>
      %and3A_454 = arith.constant 127 : i32
      %and3A_455 = vector.broadcast %and3A_454 : i32 to vector<16xi32>
      %and3A_456 = arith.andi %add3A_450, %and3A_455 : vector<16xi32>
      %gather3A_457 = tpu.vector_load_idx %arg7[%shift_right_arithmetic3A_453, %and3A_456] : memref<2x128xi32, #tpu.memory_space<vmem>>[vector<16xi32>, vector<16xi32>], vector<16xi32>,
      %shift_right_arithmetic3A_458 = arith.constant 1 : i32
      %shift_right_arithmetic3A_459 = vector.broadcast %shift_right_arithmetic3A_458 : i32 to vector<16xi32>
      %shift_right_arithmetic3A_460 = arith.shrsi %gather3A_457, %shift_right_arithmetic3A_459 : vector<16xi32>
      %and3A_461 = arith.constant 1 : i32
      %and3A_462 = vector.broadcast %and3A_461 : i32 to vector<16xi32>
      %and3A_463 = arith.andi %gather3A_457, %and3A_462 : vector<16xi32>
      %mul3A_464 = arith.constant 64 : i32
      %mul3A_465 = vector.broadcast %mul3A_464 : i32 to vector<16xi32>
      %mul3A_466 = arith.muli %and3A_463, %mul3A_465 : vector<16xi32>
      %add3A_467 = arith.constant 0 : i32
      %add3A_468 = vector.broadcast %add3A_467 : i32 to vector<16xi32>
      %add3A_469 = arith.addi %mul3A_466, %add3A_468 : vector<16xi32>
      %add3A_470 = arith.addi %add3A_469, %and3A_4 : vector<16xi32>
      %gather3A_471 = tpu.vector_load_idx %arg6[%shift_right_arithmetic3A_460, %add3A_470] : memref<256x128xi32, #tpu.memory_space<vmem>>[vector<16xi32>, vector<16xi32>], vector<16xi32>,
      %mul3A_472 = arith.constant 16 : i32
      %mul3A_473 = arith.muli %scan3A_10, %mul3A_472 : i32
      %add3A_474 = arith.constant 0 : i32
      %add3A_475 = arith.addi %mul3A_473, %add3A_474 : i32
      %swap3A_476 = arith.index_cast %add3A_475 : i32 to index
      %swap3A_477 = arith.constant 32 : index
      %swap3A_478 = tpu.vector_load %arg8[%swap3A_476, %swap3A_477] {strides = array<i32>} : memref<224x64xi32, #tpu.memory_space<vmem>>, vector<16xi32>,
      tpu.vector_store %arg8[%swap3A_476, %swap3A_477], %gather3A_471 {strides = array<i32>} : memref<224x64xi32, #tpu.memory_space<vmem>>, vector<16xi32>,
      %add3A_479 = arith.constant 4 : i32
      %add3A_480 = vector.broadcast %add3A_479 : i32 to vector<16xi32>
      %add3A_481 = arith.addi %mul3A_466, %add3A_480 : vector<16xi32>
      %add3A_482 = arith.addi %add3A_481, %and3A_4 : vector<16xi32>
      %gather3A_483 = tpu.vector_load_idx %arg6[%shift_right_arithmetic3A_460, %add3A_482] : memref<256x128xi32, #tpu.memory_space<vmem>>[vector<16xi32>, vector<16xi32>], vector<16xi32>,
      %mul3A_484 = arith.constant 16 : i32
      %mul3A_485 = arith.muli %scan3A_10, %mul3A_484 : i32
      %add3A_486 = arith.constant 1 : i32
      %add3A_487 = arith.addi %mul3A_485, %add3A_486 : i32
      %swap3A_488 = arith.index_cast %add3A_487 : i32 to index
      %swap3A_489 = arith.constant 32 : index
      %swap3A_490 = tpu.vector_load %arg8[%swap3A_488, %swap3A_489] {strides = array<i32>} : memref<224x64xi32, #tpu.memory_space<vmem>>, vector<16xi32>,
      tpu.vector_store %arg8[%swap3A_488, %swap3A_489], %gather3A_483 {strides = array<i32>} : memref<224x64xi32, #tpu.memory_space<vmem>>, vector<16xi32>,
      %add3A_491 = arith.constant 8 : i32
      %add3A_492 = vector.broadcast %add3A_491 : i32 to vector<16xi32>
      %add3A_493 = arith.addi %mul3A_466, %add3A_492 : vector<16xi32>
      %add3A_494 = arith.addi %add3A_493, %and3A_4 : vector<16xi32>
      %gather3A_495 = tpu.vector_load_idx %arg6[%shift_right_arithmetic3A_460, %add3A_494] : memref<256x128xi32, #tpu.memory_space<vmem>>[vector<16xi32>, vector<16xi32>], vector<16xi32>,
      %mul3A_496 = arith.constant 16 : i32
      %mul3A_497 = arith.muli %scan3A_10, %mul3A_496 : i32
      %add3A_498 = arith.constant 2 : i32
      %add3A_499 = arith.addi %mul3A_497, %add3A_498 : i32
      %swap3A_500 = arith.index_cast %add3A_499 : i32 to index
      %swap3A_501 = arith.constant 32 : index
      %swap3A_502 = tpu.vector_load %arg8[%swap3A_500, %swap3A_501] {strides = array<i32>} : memref<224x64xi32, #tpu.memory_space<vmem>>, vector<16xi32>,
      tpu.vector_store %arg8[%swap3A_500, %swap3A_501], %gather3A_495 {strides = array<i32>} : memref<224x64xi32, #tpu.memory_space<vmem>>, vector<16xi32>,
      %add3A_503 = arith.constant 12 : i32
      %add3A_504 = vector.broadcast %add3A_503 : i32 to vector<16xi32>
      %add3A_505 = arith.addi %mul3A_466, %add3A_504 : vector<16xi32>
      %add3A_506 = arith.addi %add3A_505, %and3A_4 : vector<16xi32>
      %gather3A_507 = tpu.vector_load_idx %arg6[%shift_right_arithmetic3A_460, %add3A_506] : memref<256x128xi32, #tpu.memory_space<vmem>>[vector<16xi32>, vector<16xi32>], vector<16xi32>,
      %mul3A_508 = arith.constant 16 : i32
      %mul3A_509 = arith.muli %scan3A_10, %mul3A_508 : i32
      %add3A_510 = arith.constant 3 : i32
      %add3A_511 = arith.addi %mul3A_509, %add3A_510 : i32
      %swap3A_512 = arith.index_cast %add3A_511 : i32 to index
      %swap3A_513 = arith.constant 32 : index
      %swap3A_514 = tpu.vector_load %arg8[%swap3A_512, %swap3A_513] {strides = array<i32>} : memref<224x64xi32, #tpu.memory_space<vmem>>, vector<16xi32>,
      tpu.vector_store %arg8[%swap3A_512, %swap3A_513], %gather3A_507 {strides = array<i32>} : memref<224x64xi32, #tpu.memory_space<vmem>>, vector<16xi32>,
      %add3A_515 = arith.constant 16 : i32
      %add3A_516 = vector.broadcast %add3A_515 : i32 to vector<16xi32>
      %add3A_517 = arith.addi %mul3A_466, %add3A_516 : vector<16xi32>
      %add3A_518 = arith.addi %add3A_517, %and3A_4 : vector<16xi32>
      %gather3A_519 = tpu.vector_load_idx %arg6[%shift_right_arithmetic3A_460, %add3A_518] : memref<256x128xi32, #tpu.memory_space<vmem>>[vector<16xi32>, vector<16xi32>], vector<16xi32>,
      %mul3A_520 = arith.constant 16 : i32
      %mul3A_521 = arith.muli %scan3A_10, %mul3A_520 : i32
      %add3A_522 = arith.constant 4 : i32
      %add3A_523 = arith.addi %mul3A_521, %add3A_522 : i32
      %swap3A_524 = arith.index_cast %add3A_523 : i32 to index
      %swap3A_525 = arith.constant 32 : index
      %swap3A_526 = tpu.vector_load %arg8[%swap3A_524, %swap3A_525] {strides = array<i32>} : memref<224x64xi32, #tpu.memory_space<vmem>>, vector<16xi32>,
      tpu.vector_store %arg8[%swap3A_524, %swap3A_525], %gather3A_519 {strides = array<i32>} : memref<224x64xi32, #tpu.memory_space<vmem>>, vector<16xi32>,
      %add3A_527 = arith.constant 20 : i32
      %add3A_528 = vector.broadcast %add3A_527 : i32 to vector<16xi32>
      %add3A_529 = arith.addi %mul3A_466, %add3A_528 : vector<16xi32>
      %add3A_530 = arith.addi %add3A_529, %and3A_4 : vector<16xi32>
      %gather3A_531 = tpu.vector_load_idx %arg6[%shift_right_arithmetic3A_460, %add3A_530] : memref<256x128xi32, #tpu.memory_space<vmem>>[vector<16xi32>, vector<16xi32>], vector<16xi32>,
      %mul3A_532 = arith.constant 16 : i32
      %mul3A_533 = arith.muli %scan3A_10, %mul3A_532 : i32
      %add3A_534 = arith.constant 5 : i32
      %add3A_535 = arith.addi %mul3A_533, %add3A_534 : i32
      %swap3A_536 = arith.index_cast %add3A_535 : i32 to index
      %swap3A_537 = arith.constant 32 : index
      %swap3A_538 = tpu.vector_load %arg8[%swap3A_536, %swap3A_537] {strides = array<i32>} : memref<224x64xi32, #tpu.memory_space<vmem>>, vector<16xi32>,
      tpu.vector_store %arg8[%swap3A_536, %swap3A_537], %gather3A_531 {strides = array<i32>} : memref<224x64xi32, #tpu.memory_space<vmem>>, vector<16xi32>,
      %add3A_539 = arith.constant 24 : i32
      %add3A_540 = vector.broadcast %add3A_539 : i32 to vector<16xi32>
      %add3A_541 = arith.addi %mul3A_466, %add3A_540 : vector<16xi32>
      %add3A_542 = arith.addi %add3A_541, %and3A_4 : vector<16xi32>
      %gather3A_543 = tpu.vector_load_idx %arg6[%shift_right_arithmetic3A_460, %add3A_542] : memref<256x128xi32, #tpu.memory_space<vmem>>[vector<16xi32>, vector<16xi32>], vector<16xi32>,
      %mul3A_544 = arith.constant 16 : i32
      %mul3A_545 = arith.muli %scan3A_10, %mul3A_544 : i32
      %add3A_546 = arith.constant 6 : i32
      %add3A_547 = arith.addi %mul3A_545, %add3A_546 : i32
      %swap3A_548 = arith.index_cast %add3A_547 : i32 to index
      %swap3A_549 = arith.constant 32 : index
      %swap3A_550 = tpu.vector_load %arg8[%swap3A_548, %swap3A_549] {strides = array<i32>} : memref<224x64xi32, #tpu.memory_space<vmem>>, vector<16xi32>,
      tpu.vector_store %arg8[%swap3A_548, %swap3A_549], %gather3A_543 {strides = array<i32>} : memref<224x64xi32, #tpu.memory_space<vmem>>, vector<16xi32>,
      %add3A_551 = arith.constant 28 : i32
      %add3A_552 = vector.broadcast %add3A_551 : i32 to vector<16xi32>
      %add3A_553 = arith.addi %mul3A_466, %add3A_552 : vector<16xi32>
      %add3A_554 = arith.addi %add3A_553, %and3A_4 : vector<16xi32>
      %gather3A_555 = tpu.vector_load_idx %arg6[%shift_right_arithmetic3A_460, %add3A_554] : memref<256x128xi32, #tpu.memory_space<vmem>>[vector<16xi32>, vector<16xi32>], vector<16xi32>,
      %mul3A_556 = arith.constant 16 : i32
      %mul3A_557 = arith.muli %scan3A_10, %mul3A_556 : i32
      %add3A_558 = arith.constant 7 : i32
      %add3A_559 = arith.addi %mul3A_557, %add3A_558 : i32
      %swap3A_560 = arith.index_cast %add3A_559 : i32 to index
      %swap3A_561 = arith.constant 32 : index
      %swap3A_562 = tpu.vector_load %arg8[%swap3A_560, %swap3A_561] {strides = array<i32>} : memref<224x64xi32, #tpu.memory_space<vmem>>, vector<16xi32>,
      tpu.vector_store %arg8[%swap3A_560, %swap3A_561], %gather3A_555 {strides = array<i32>} : memref<224x64xi32, #tpu.memory_space<vmem>>, vector<16xi32>,
      %add3A_563 = arith.constant 32 : i32
      %add3A_564 = vector.broadcast %add3A_563 : i32 to vector<16xi32>
      %add3A_565 = arith.addi %mul3A_466, %add3A_564 : vector<16xi32>
      %add3A_566 = arith.addi %add3A_565, %and3A_4 : vector<16xi32>
      %gather3A_567 = tpu.vector_load_idx %arg6[%shift_right_arithmetic3A_460, %add3A_566] : memref<256x128xi32, #tpu.memory_space<vmem>>[vector<16xi32>, vector<16xi32>], vector<16xi32>,
      %mul3A_568 = arith.constant 16 : i32
      %mul3A_569 = arith.muli %scan3A_10, %mul3A_568 : i32
      %add3A_570 = arith.constant 8 : i32
      %add3A_571 = arith.addi %mul3A_569, %add3A_570 : i32
      %swap3A_572 = arith.index_cast %add3A_571 : i32 to index
      %swap3A_573 = arith.constant 32 : index
      %swap3A_574 = tpu.vector_load %arg8[%swap3A_572, %swap3A_573] {strides = array<i32>} : memref<224x64xi32, #tpu.memory_space<vmem>>, vector<16xi32>,
      tpu.vector_store %arg8[%swap3A_572, %swap3A_573], %gather3A_567 {strides = array<i32>} : memref<224x64xi32, #tpu.memory_space<vmem>>, vector<16xi32>,
      %add3A_575 = arith.constant 36 : i32
      %add3A_576 = vector.broadcast %add3A_575 : i32 to vector<16xi32>
      %add3A_577 = arith.addi %mul3A_466, %add3A_576 : vector<16xi32>
      %add3A_578 = arith.addi %add3A_577, %and3A_4 : vector<16xi32>
      %gather3A_579 = tpu.vector_load_idx %arg6[%shift_right_arithmetic3A_460, %add3A_578] : memref<256x128xi32, #tpu.memory_space<vmem>>[vector<16xi32>, vector<16xi32>], vector<16xi32>,
      %mul3A_580 = arith.constant 16 : i32
      %mul3A_581 = arith.muli %scan3A_10, %mul3A_580 : i32
      %add3A_582 = arith.constant 9 : i32
      %add3A_583 = arith.addi %mul3A_581, %add3A_582 : i32
      %swap3A_584 = arith.index_cast %add3A_583 : i32 to index
      %swap3A_585 = arith.constant 32 : index
      %swap3A_586 = tpu.vector_load %arg8[%swap3A_584, %swap3A_585] {strides = array<i32>} : memref<224x64xi32, #tpu.memory_space<vmem>>, vector<16xi32>,
      tpu.vector_store %arg8[%swap3A_584, %swap3A_585], %gather3A_579 {strides = array<i32>} : memref<224x64xi32, #tpu.memory_space<vmem>>, vector<16xi32>,
      %add3A_587 = arith.constant 40 : i32
      %add3A_588 = vector.broadcast %add3A_587 : i32 to vector<16xi32>
      %add3A_589 = arith.addi %mul3A_466, %add3A_588 : vector<16xi32>
      %add3A_590 = arith.addi %add3A_589, %and3A_4 : vector<16xi32>
      %gather3A_591 = tpu.vector_load_idx %arg6[%shift_right_arithmetic3A_460, %add3A_590] : memref<256x128xi32, #tpu.memory_space<vmem>>[vector<16xi32>, vector<16xi32>], vector<16xi32>,
      %mul3A_592 = arith.constant 16 : i32
      %mul3A_593 = arith.muli %scan3A_10, %mul3A_592 : i32
      %add3A_594 = arith.constant 10 : i32
      %add3A_595 = arith.addi %mul3A_593, %add3A_594 : i32
      %swap3A_596 = arith.index_cast %add3A_595 : i32 to index
      %swap3A_597 = arith.constant 32 : index
      %swap3A_598 = tpu.vector_load %arg8[%swap3A_596, %swap3A_597] {strides = array<i32>} : memref<224x64xi32, #tpu.memory_space<vmem>>, vector<16xi32>,
      tpu.vector_store %arg8[%swap3A_596, %swap3A_597], %gather3A_591 {strides = array<i32>} : memref<224x64xi32, #tpu.memory_space<vmem>>, vector<16xi32>,
      %add3A_599 = arith.constant 44 : i32
      %add3A_600 = vector.broadcast %add3A_599 : i32 to vector<16xi32>
      %add3A_601 = arith.addi %mul3A_466, %add3A_600 : vector<16xi32>
      %add3A_602 = arith.addi %add3A_601, %and3A_4 : vector<16xi32>
      %gather3A_603 = tpu.vector_load_idx %arg6[%shift_right_arithmetic3A_460, %add3A_602] : memref<256x128xi32, #tpu.memory_space<vmem>>[vector<16xi32>, vector<16xi32>], vector<16xi32>,
      %mul3A_604 = arith.constant 16 : i32
      %mul3A_605 = arith.muli %scan3A_10, %mul3A_604 : i32
      %add3A_606 = arith.constant 11 : i32
      %add3A_607 = arith.addi %mul3A_605, %add3A_606 : i32
      %swap3A_608 = arith.index_cast %add3A_607 : i32 to index
      %swap3A_609 = arith.constant 32 : index
      %swap3A_610 = tpu.vector_load %arg8[%swap3A_608, %swap3A_609] {strides = array<i32>} : memref<224x64xi32, #tpu.memory_space<vmem>>, vector<16xi32>,
      tpu.vector_store %arg8[%swap3A_608, %swap3A_609], %gather3A_603 {strides = array<i32>} : memref<224x64xi32, #tpu.memory_space<vmem>>, vector<16xi32>,
      %add3A_611 = arith.constant 48 : i32
      %add3A_612 = vector.broadcast %add3A_611 : i32 to vector<16xi32>
      %add3A_613 = arith.addi %mul3A_466, %add3A_612 : vector<16xi32>
      %add3A_614 = arith.addi %add3A_613, %and3A_4 : vector<16xi32>
      %gather3A_615 = tpu.vector_load_idx %arg6[%shift_right_arithmetic3A_460, %add3A_614] : memref<256x128xi32, #tpu.memory_space<vmem>>[vector<16xi32>, vector<16xi32>], vector<16xi32>,
      %mul3A_616 = arith.constant 16 : i32
      %mul3A_617 = arith.muli %scan3A_10, %mul3A_616 : i32
      %add3A_618 = arith.constant 12 : i32
      %add3A_619 = arith.addi %mul3A_617, %add3A_618 : i32
      %swap3A_620 = arith.index_cast %add3A_619 : i32 to index
      %swap3A_621 = arith.constant 32 : index
      %swap3A_622 = tpu.vector_load %arg8[%swap3A_620, %swap3A_621] {strides = array<i32>} : memref<224x64xi32, #tpu.memory_space<vmem>>, vector<16xi32>,
      tpu.vector_store %arg8[%swap3A_620, %swap3A_621], %gather3A_615 {strides = array<i32>} : memref<224x64xi32, #tpu.memory_space<vmem>>, vector<16xi32>,
      %add3A_623 = arith.constant 52 : i32
      %add3A_624 = vector.broadcast %add3A_623 : i32 to vector<16xi32>
      %add3A_625 = arith.addi %mul3A_466, %add3A_624 : vector<16xi32>
      %add3A_626 = arith.addi %add3A_625, %and3A_4 : vector<16xi32>
      %gather3A_627 = tpu.vector_load_idx %arg6[%shift_right_arithmetic3A_460, %add3A_626] : memref<256x128xi32, #tpu.memory_space<vmem>>[vector<16xi32>, vector<16xi32>], vector<16xi32>,
      %mul3A_628 = arith.constant 16 : i32
      %mul3A_629 = arith.muli %scan3A_10, %mul3A_628 : i32
      %add3A_630 = arith.constant 13 : i32
      %add3A_631 = arith.addi %mul3A_629, %add3A_630 : i32
      %swap3A_632 = arith.index_cast %add3A_631 : i32 to index
      %swap3A_633 = arith.constant 32 : index
      %swap3A_634 = tpu.vector_load %arg8[%swap3A_632, %swap3A_633] {strides = array<i32>} : memref<224x64xi32, #tpu.memory_space<vmem>>, vector<16xi32>,
      tpu.vector_store %arg8[%swap3A_632, %swap3A_633], %gather3A_627 {strides = array<i32>} : memref<224x64xi32, #tpu.memory_space<vmem>>, vector<16xi32>,
      %add3A_635 = arith.constant 56 : i32
      %add3A_636 = vector.broadcast %add3A_635 : i32 to vector<16xi32>
      %add3A_637 = arith.addi %mul3A_466, %add3A_636 : vector<16xi32>
      %add3A_638 = arith.addi %add3A_637, %and3A_4 : vector<16xi32>
      %gather3A_639 = tpu.vector_load_idx %arg6[%shift_right_arithmetic3A_460, %add3A_638] : memref<256x128xi32, #tpu.memory_space<vmem>>[vector<16xi32>, vector<16xi32>], vector<16xi32>,
      %mul3A_640 = arith.constant 16 : i32
      %mul3A_641 = arith.muli %scan3A_10, %mul3A_640 : i32
      %add3A_642 = arith.constant 14 : i32
      %add3A_643 = arith.addi %mul3A_641, %add3A_642 : i32
      %swap3A_644 = arith.index_cast %add3A_643 : i32 to index
      %swap3A_645 = arith.constant 32 : index
      %swap3A_646 = tpu.vector_load %arg8[%swap3A_644, %swap3A_645] {strides = array<i32>} : memref<224x64xi32, #tpu.memory_space<vmem>>, vector<16xi32>,
      tpu.vector_store %arg8[%swap3A_644, %swap3A_645], %gather3A_639 {strides = array<i32>} : memref<224x64xi32, #tpu.memory_space<vmem>>, vector<16xi32>,
      %add3A_647 = arith.constant 60 : i32
      %add3A_648 = vector.broadcast %add3A_647 : i32 to vector<16xi32>
      %add3A_649 = arith.addi %mul3A_466, %add3A_648 : vector<16xi32>
      %add3A_650 = arith.addi %add3A_649, %and3A_4 : vector<16xi32>
      %gather3A_651 = tpu.vector_load_idx %arg6[%shift_right_arithmetic3A_460, %add3A_650] : memref<256x128xi32, #tpu.memory_space<vmem>>[vector<16xi32>, vector<16xi32>], vector<16xi32>,
      %mul3A_652 = arith.constant 16 : i32
      %mul3A_653 = arith.muli %scan3A_10, %mul3A_652 : i32
      %add3A_654 = arith.constant 15 : i32
      %add3A_655 = arith.addi %mul3A_653, %add3A_654 : i32
      %swap3A_656 = arith.index_cast %add3A_655 : i32 to index
      %swap3A_657 = arith.constant 32 : index
      %swap3A_658 = tpu.vector_load %arg8[%swap3A_656, %swap3A_657] {strides = array<i32>} : memref<224x64xi32, #tpu.memory_space<vmem>>, vector<16xi32>,
      tpu.vector_store %arg8[%swap3A_656, %swap3A_657], %gather3A_651 {strides = array<i32>} : memref<224x64xi32, #tpu.memory_space<vmem>>, vector<16xi32>,
      %mul3A_659 = arith.constant 14 : i32
      %mul3A_660 = arith.muli %scan3A_10, %mul3A_659 : i32
      %add3A_661 = arith.constant 12 : i32
      %add3A_662 = arith.addi %mul3A_660, %add3A_661 : i32
      %shift_right_arithmetic3A_663 = arith.constant 2 : i32
      %shift_right_arithmetic3A_664 = vector.broadcast %shift_right_arithmetic3A_663 : i32 to vector<16xi32>
      %shift_right_arithmetic3A_665 = arith.shrsi %iota3A, %shift_right_arithmetic3A_664 : vector<16xi32>
      %add3A_666 = vector.broadcast %add3A_662 : i32 to vector<16xi32>
      %add3A_667 = arith.addi %add3A_666, %shift_right_arithmetic3A_665 : vector<16xi32>
      %shift_right_arithmetic3A_668 = arith.constant 7 : i32
      %shift_right_arithmetic3A_669 = vector.broadcast %shift_right_arithmetic3A_668 : i32 to vector<16xi32>
      %shift_right_arithmetic3A_670 = arith.shrsi %add3A_667, %shift_right_arithmetic3A_669 : vector<16xi32>
      %and3A_671 = arith.constant 127 : i32
      %and3A_672 = vector.broadcast %and3A_671 : i32 to vector<16xi32>
      %and3A_673 = arith.andi %add3A_667, %and3A_672 : vector<16xi32>
      %gather3A_674 = tpu.vector_load_idx %arg7[%shift_right_arithmetic3A_670, %and3A_673] : memref<2x128xi32, #tpu.memory_space<vmem>>[vector<16xi32>, vector<16xi32>], vector<16xi32>,
      %shift_right_arithmetic3A_675 = arith.constant 1 : i32
      %shift_right_arithmetic3A_676 = vector.broadcast %shift_right_arithmetic3A_675 : i32 to vector<16xi32>
      %shift_right_arithmetic3A_677 = arith.shrsi %gather3A_674, %shift_right_arithmetic3A_676 : vector<16xi32>
      %and3A_678 = arith.constant 1 : i32
      %and3A_679 = vector.broadcast %and3A_678 : i32 to vector<16xi32>
      %and3A_680 = arith.andi %gather3A_674, %and3A_679 : vector<16xi32>
      %mul3A_681 = arith.constant 64 : i32
      %mul3A_682 = vector.broadcast %mul3A_681 : i32 to vector<16xi32>
      %mul3A_683 = arith.muli %and3A_680, %mul3A_682 : vector<16xi32>
      %add3A_684 = arith.constant 0 : i32
      %add3A_685 = vector.broadcast %add3A_684 : i32 to vector<16xi32>
      %add3A_686 = arith.addi %mul3A_683, %add3A_685 : vector<16xi32>
      %add3A_687 = arith.addi %add3A_686, %and3A_4 : vector<16xi32>
      %gather3A_688 = tpu.vector_load_idx %arg6[%shift_right_arithmetic3A_677, %add3A_687] : memref<256x128xi32, #tpu.memory_space<vmem>>[vector<16xi32>, vector<16xi32>], vector<16xi32>,
      %mul3A_689 = arith.constant 16 : i32
      %mul3A_690 = arith.muli %scan3A_10, %mul3A_689 : i32
      %add3A_691 = arith.constant 0 : i32
      %add3A_692 = arith.addi %mul3A_690, %add3A_691 : i32
      %swap3A_693 = arith.index_cast %add3A_692 : i32 to index
      %swap3A_694 = arith.constant 48 : index
      %swap3A_695 = tpu.vector_load %arg8[%swap3A_693, %swap3A_694] {strides = array<i32>} : memref<224x64xi32, #tpu.memory_space<vmem>>, vector<16xi32>,
      tpu.vector_store %arg8[%swap3A_693, %swap3A_694], %gather3A_688 {strides = array<i32>} : memref<224x64xi32, #tpu.memory_space<vmem>>, vector<16xi32>,
      %add3A_696 = arith.constant 4 : i32
      %add3A_697 = vector.broadcast %add3A_696 : i32 to vector<16xi32>
      %add3A_698 = arith.addi %mul3A_683, %add3A_697 : vector<16xi32>
      %add3A_699 = arith.addi %add3A_698, %and3A_4 : vector<16xi32>
      %gather3A_700 = tpu.vector_load_idx %arg6[%shift_right_arithmetic3A_677, %add3A_699] : memref<256x128xi32, #tpu.memory_space<vmem>>[vector<16xi32>, vector<16xi32>], vector<16xi32>,
      %mul3A_701 = arith.constant 16 : i32
      %mul3A_702 = arith.muli %scan3A_10, %mul3A_701 : i32
      %add3A_703 = arith.constant 1 : i32
      %add3A_704 = arith.addi %mul3A_702, %add3A_703 : i32
      %swap3A_705 = arith.index_cast %add3A_704 : i32 to index
      %swap3A_706 = arith.constant 48 : index
      %swap3A_707 = tpu.vector_load %arg8[%swap3A_705, %swap3A_706] {strides = array<i32>} : memref<224x64xi32, #tpu.memory_space<vmem>>, vector<16xi32>,
      tpu.vector_store %arg8[%swap3A_705, %swap3A_706], %gather3A_700 {strides = array<i32>} : memref<224x64xi32, #tpu.memory_space<vmem>>, vector<16xi32>,
      %add3A_708 = arith.constant 8 : i32
      %add3A_709 = vector.broadcast %add3A_708 : i32 to vector<16xi32>
      %add3A_710 = arith.addi %mul3A_683, %add3A_709 : vector<16xi32>
      %add3A_711 = arith.addi %add3A_710, %and3A_4 : vector<16xi32>
      %gather3A_712 = tpu.vector_load_idx %arg6[%shift_right_arithmetic3A_677, %add3A_711] : memref<256x128xi32, #tpu.memory_space<vmem>>[vector<16xi32>, vector<16xi32>], vector<16xi32>,
      %mul3A_713 = arith.constant 16 : i32
      %mul3A_714 = arith.muli %scan3A_10, %mul3A_713 : i32
      %add3A_715 = arith.constant 2 : i32
      %add3A_716 = arith.addi %mul3A_714, %add3A_715 : i32
      %swap3A_717 = arith.index_cast %add3A_716 : i32 to index
      %swap3A_718 = arith.constant 48 : index
      %swap3A_719 = tpu.vector_load %arg8[%swap3A_717, %swap3A_718] {strides = array<i32>} : memref<224x64xi32, #tpu.memory_space<vmem>>, vector<16xi32>,
      tpu.vector_store %arg8[%swap3A_717, %swap3A_718], %gather3A_712 {strides = array<i32>} : memref<224x64xi32, #tpu.memory_space<vmem>>, vector<16xi32>,
      %add3A_720 = arith.constant 12 : i32
      %add3A_721 = vector.broadcast %add3A_720 : i32 to vector<16xi32>
      %add3A_722 = arith.addi %mul3A_683, %add3A_721 : vector<16xi32>
      %add3A_723 = arith.addi %add3A_722, %and3A_4 : vector<16xi32>
      %gather3A_724 = tpu.vector_load_idx %arg6[%shift_right_arithmetic3A_677, %add3A_723] : memref<256x128xi32, #tpu.memory_space<vmem>>[vector<16xi32>, vector<16xi32>], vector<16xi32>,
      %mul3A_725 = arith.constant 16 : i32
      %mul3A_726 = arith.muli %scan3A_10, %mul3A_725 : i32
      %add3A_727 = arith.constant 3 : i32
      %add3A_728 = arith.addi %mul3A_726, %add3A_727 : i32
      %swap3A_729 = arith.index_cast %add3A_728 : i32 to index
      %swap3A_730 = arith.constant 48 : index
      %swap3A_731 = tpu.vector_load %arg8[%swap3A_729, %swap3A_730] {strides = array<i32>} : memref<224x64xi32, #tpu.memory_space<vmem>>, vector<16xi32>,
      tpu.vector_store %arg8[%swap3A_729, %swap3A_730], %gather3A_724 {strides = array<i32>} : memref<224x64xi32, #tpu.memory_space<vmem>>, vector<16xi32>,
      %add3A_732 = arith.constant 16 : i32
      %add3A_733 = vector.broadcast %add3A_732 : i32 to vector<16xi32>
      %add3A_734 = arith.addi %mul3A_683, %add3A_733 : vector<16xi32>
      %add3A_735 = arith.addi %add3A_734, %and3A_4 : vector<16xi32>
      %gather3A_736 = tpu.vector_load_idx %arg6[%shift_right_arithmetic3A_677, %add3A_735] : memref<256x128xi32, #tpu.memory_space<vmem>>[vector<16xi32>, vector<16xi32>], vector<16xi32>,
      %mul3A_737 = arith.constant 16 : i32
      %mul3A_738 = arith.muli %scan3A_10, %mul3A_737 : i32
      %add3A_739 = arith.constant 4 : i32
      %add3A_740 = arith.addi %mul3A_738, %add3A_739 : i32
      %swap3A_741 = arith.index_cast %add3A_740 : i32 to index
      %swap3A_742 = arith.constant 48 : index
      %swap3A_743 = tpu.vector_load %arg8[%swap3A_741, %swap3A_742] {strides = array<i32>} : memref<224x64xi32, #tpu.memory_space<vmem>>, vector<16xi32>,
      tpu.vector_store %arg8[%swap3A_741, %swap3A_742], %gather3A_736 {strides = array<i32>} : memref<224x64xi32, #tpu.memory_space<vmem>>, vector<16xi32>,
      %add3A_744 = arith.constant 20 : i32
      %add3A_745 = vector.broadcast %add3A_744 : i32 to vector<16xi32>
      %add3A_746 = arith.addi %mul3A_683, %add3A_745 : vector<16xi32>
      %add3A_747 = arith.addi %add3A_746, %and3A_4 : vector<16xi32>
      %gather3A_748 = tpu.vector_load_idx %arg6[%shift_right_arithmetic3A_677, %add3A_747] : memref<256x128xi32, #tpu.memory_space<vmem>>[vector<16xi32>, vector<16xi32>], vector<16xi32>,
      %mul3A_749 = arith.constant 16 : i32
      %mul3A_750 = arith.muli %scan3A_10, %mul3A_749 : i32
      %add3A_751 = arith.constant 5 : i32
      %add3A_752 = arith.addi %mul3A_750, %add3A_751 : i32
      %swap3A_753 = arith.index_cast %add3A_752 : i32 to index
      %swap3A_754 = arith.constant 48 : index
      %swap3A_755 = tpu.vector_load %arg8[%swap3A_753, %swap3A_754] {strides = array<i32>} : memref<224x64xi32, #tpu.memory_space<vmem>>, vector<16xi32>,
      tpu.vector_store %arg8[%swap3A_753, %swap3A_754], %gather3A_748 {strides = array<i32>} : memref<224x64xi32, #tpu.memory_space<vmem>>, vector<16xi32>,
      %add3A_756 = arith.constant 24 : i32
      %add3A_757 = vector.broadcast %add3A_756 : i32 to vector<16xi32>
      %add3A_758 = arith.addi %mul3A_683, %add3A_757 : vector<16xi32>
      %add3A_759 = arith.addi %add3A_758, %and3A_4 : vector<16xi32>
      %gather3A_760 = tpu.vector_load_idx %arg6[%shift_right_arithmetic3A_677, %add3A_759] : memref<256x128xi32, #tpu.memory_space<vmem>>[vector<16xi32>, vector<16xi32>], vector<16xi32>,
      %mul3A_761 = arith.constant 16 : i32
      %mul3A_762 = arith.muli %scan3A_10, %mul3A_761 : i32
      %add3A_763 = arith.constant 6 : i32
      %add3A_764 = arith.addi %mul3A_762, %add3A_763 : i32
      %swap3A_765 = arith.index_cast %add3A_764 : i32 to index
      %swap3A_766 = arith.constant 48 : index
      %swap3A_767 = tpu.vector_load %arg8[%swap3A_765, %swap3A_766] {strides = array<i32>} : memref<224x64xi32, #tpu.memory_space<vmem>>, vector<16xi32>,
      tpu.vector_store %arg8[%swap3A_765, %swap3A_766], %gather3A_760 {strides = array<i32>} : memref<224x64xi32, #tpu.memory_space<vmem>>, vector<16xi32>,
      %add3A_768 = arith.constant 28 : i32
      %add3A_769 = vector.broadcast %add3A_768 : i32 to vector<16xi32>
      %add3A_770 = arith.addi %mul3A_683, %add3A_769 : vector<16xi32>
      %add3A_771 = arith.addi %add3A_770, %and3A_4 : vector<16xi32>
      %gather3A_772 = tpu.vector_load_idx %arg6[%shift_right_arithmetic3A_677, %add3A_771] : memref<256x128xi32, #tpu.memory_space<vmem>>[vector<16xi32>, vector<16xi32>], vector<16xi32>,
      %mul3A_773 = arith.constant 16 : i32
      %mul3A_774 = arith.muli %scan3A_10, %mul3A_773 : i32
      %add3A_775 = arith.constant 7 : i32
      %add3A_776 = arith.addi %mul3A_774, %add3A_775 : i32
      %swap3A_777 = arith.index_cast %add3A_776 : i32 to index
      %swap3A_778 = arith.constant 48 : index
      %swap3A_779 = tpu.vector_load %arg8[%swap3A_777, %swap3A_778] {strides = array<i32>} : memref<224x64xi32, #tpu.memory_space<vmem>>, vector<16xi32>,
      tpu.vector_store %arg8[%swap3A_777, %swap3A_778], %gather3A_772 {strides = array<i32>} : memref<224x64xi32, #tpu.memory_space<vmem>>, vector<16xi32>,
      %add3A_780 = arith.constant 32 : i32
      %add3A_781 = vector.broadcast %add3A_780 : i32 to vector<16xi32>
      %add3A_782 = arith.addi %mul3A_683, %add3A_781 : vector<16xi32>
      %add3A_783 = arith.addi %add3A_782, %and3A_4 : vector<16xi32>
      %gather3A_784 = tpu.vector_load_idx %arg6[%shift_right_arithmetic3A_677, %add3A_783] : memref<256x128xi32, #tpu.memory_space<vmem>>[vector<16xi32>, vector<16xi32>], vector<16xi32>,
      %mul3A_785 = arith.constant 16 : i32
      %mul3A_786 = arith.muli %scan3A_10, %mul3A_785 : i32
      %add3A_787 = arith.constant 8 : i32
      %add3A_788 = arith.addi %mul3A_786, %add3A_787 : i32
      %swap3A_789 = arith.index_cast %add3A_788 : i32 to index
      %swap3A_790 = arith.constant 48 : index
      %swap3A_791 = tpu.vector_load %arg8[%swap3A_789, %swap3A_790] {strides = array<i32>} : memref<224x64xi32, #tpu.memory_space<vmem>>, vector<16xi32>,
      tpu.vector_store %arg8[%swap3A_789, %swap3A_790], %gather3A_784 {strides = array<i32>} : memref<224x64xi32, #tpu.memory_space<vmem>>, vector<16xi32>,
      %add3A_792 = arith.constant 36 : i32
      %add3A_793 = vector.broadcast %add3A_792 : i32 to vector<16xi32>
      %add3A_794 = arith.addi %mul3A_683, %add3A_793 : vector<16xi32>
      %add3A_795 = arith.addi %add3A_794, %and3A_4 : vector<16xi32>
      %gather3A_796 = tpu.vector_load_idx %arg6[%shift_right_arithmetic3A_677, %add3A_795] : memref<256x128xi32, #tpu.memory_space<vmem>>[vector<16xi32>, vector<16xi32>], vector<16xi32>,
      %mul3A_797 = arith.constant 16 : i32
      %mul3A_798 = arith.muli %scan3A_10, %mul3A_797 : i32
      %add3A_799 = arith.constant 9 : i32
      %add3A_800 = arith.addi %mul3A_798, %add3A_799 : i32
      %swap3A_801 = arith.index_cast %add3A_800 : i32 to index
      %swap3A_802 = arith.constant 48 : index
      %swap3A_803 = tpu.vector_load %arg8[%swap3A_801, %swap3A_802] {strides = array<i32>} : memref<224x64xi32, #tpu.memory_space<vmem>>, vector<16xi32>,
      tpu.vector_store %arg8[%swap3A_801, %swap3A_802], %gather3A_796 {strides = array<i32>} : memref<224x64xi32, #tpu.memory_space<vmem>>, vector<16xi32>,
      %add3A_804 = arith.constant 40 : i32
      %add3A_805 = vector.broadcast %add3A_804 : i32 to vector<16xi32>
      %add3A_806 = arith.addi %mul3A_683, %add3A_805 : vector<16xi32>
      %add3A_807 = arith.addi %add3A_806, %and3A_4 : vector<16xi32>
      %gather3A_808 = tpu.vector_load_idx %arg6[%shift_right_arithmetic3A_677, %add3A_807] : memref<256x128xi32, #tpu.memory_space<vmem>>[vector<16xi32>, vector<16xi32>], vector<16xi32>,
      %mul3A_809 = arith.constant 16 : i32
      %mul3A_810 = arith.muli %scan3A_10, %mul3A_809 : i32
      %add3A_811 = arith.constant 10 : i32
      %add3A_812 = arith.addi %mul3A_810, %add3A_811 : i32
      %swap3A_813 = arith.index_cast %add3A_812 : i32 to index
      %swap3A_814 = arith.constant 48 : index
      %swap3A_815 = tpu.vector_load %arg8[%swap3A_813, %swap3A_814] {strides = array<i32>} : memref<224x64xi32, #tpu.memory_space<vmem>>, vector<16xi32>,
      tpu.vector_store %arg8[%swap3A_813, %swap3A_814], %gather3A_808 {strides = array<i32>} : memref<224x64xi32, #tpu.memory_space<vmem>>, vector<16xi32>,
      %add3A_816 = arith.constant 44 : i32
      %add3A_817 = vector.broadcast %add3A_816 : i32 to vector<16xi32>
      %add3A_818 = arith.addi %mul3A_683, %add3A_817 : vector<16xi32>
      %add3A_819 = arith.addi %add3A_818, %and3A_4 : vector<16xi32>
      %gather3A_820 = tpu.vector_load_idx %arg6[%shift_right_arithmetic3A_677, %add3A_819] : memref<256x128xi32, #tpu.memory_space<vmem>>[vector<16xi32>, vector<16xi32>], vector<16xi32>,
      %mul3A_821 = arith.constant 16 : i32
      %mul3A_822 = arith.muli %scan3A_10, %mul3A_821 : i32
      %add3A_823 = arith.constant 11 : i32
      %add3A_824 = arith.addi %mul3A_822, %add3A_823 : i32
      %swap3A_825 = arith.index_cast %add3A_824 : i32 to index
      %swap3A_826 = arith.constant 48 : index
      %swap3A_827 = tpu.vector_load %arg8[%swap3A_825, %swap3A_826] {strides = array<i32>} : memref<224x64xi32, #tpu.memory_space<vmem>>, vector<16xi32>,
      tpu.vector_store %arg8[%swap3A_825, %swap3A_826], %gather3A_820 {strides = array<i32>} : memref<224x64xi32, #tpu.memory_space<vmem>>, vector<16xi32>,
      %add3A_828 = arith.constant 48 : i32
      %add3A_829 = vector.broadcast %add3A_828 : i32 to vector<16xi32>
      %add3A_830 = arith.addi %mul3A_683, %add3A_829 : vector<16xi32>
      %add3A_831 = arith.addi %add3A_830, %and3A_4 : vector<16xi32>
      %gather3A_832 = tpu.vector_load_idx %arg6[%shift_right_arithmetic3A_677, %add3A_831] : memref<256x128xi32, #tpu.memory_space<vmem>>[vector<16xi32>, vector<16xi32>], vector<16xi32>,
      %mul3A_833 = arith.constant 16 : i32
      %mul3A_834 = arith.muli %scan3A_10, %mul3A_833 : i32
      %add3A_835 = arith.constant 12 : i32
      %add3A_836 = arith.addi %mul3A_834, %add3A_835 : i32
      %swap3A_837 = arith.index_cast %add3A_836 : i32 to index
      %swap3A_838 = arith.constant 48 : index
      %swap3A_839 = tpu.vector_load %arg8[%swap3A_837, %swap3A_838] {strides = array<i32>} : memref<224x64xi32, #tpu.memory_space<vmem>>, vector<16xi32>,
      tpu.vector_store %arg8[%swap3A_837, %swap3A_838], %gather3A_832 {strides = array<i32>} : memref<224x64xi32, #tpu.memory_space<vmem>>, vector<16xi32>,
      %add3A_840 = arith.constant 52 : i32
      %add3A_841 = vector.broadcast %add3A_840 : i32 to vector<16xi32>
      %add3A_842 = arith.addi %mul3A_683, %add3A_841 : vector<16xi32>
      %add3A_843 = arith.addi %add3A_842, %and3A_4 : vector<16xi32>
      %gather3A_844 = tpu.vector_load_idx %arg6[%shift_right_arithmetic3A_677, %add3A_843] : memref<256x128xi32, #tpu.memory_space<vmem>>[vector<16xi32>, vector<16xi32>], vector<16xi32>,
      %mul3A_845 = arith.constant 16 : i32
      %mul3A_846 = arith.muli %scan3A_10, %mul3A_845 : i32
      %add3A_847 = arith.constant 13 : i32
      %add3A_848 = arith.addi %mul3A_846, %add3A_847 : i32
      %swap3A_849 = arith.index_cast %add3A_848 : i32 to index
      %swap3A_850 = arith.constant 48 : index
      %swap3A_851 = tpu.vector_load %arg8[%swap3A_849, %swap3A_850] {strides = array<i32>} : memref<224x64xi32, #tpu.memory_space<vmem>>, vector<16xi32>,
      tpu.vector_store %arg8[%swap3A_849, %swap3A_850], %gather3A_844 {strides = array<i32>} : memref<224x64xi32, #tpu.memory_space<vmem>>, vector<16xi32>,
      %add3A_852 = arith.constant 56 : i32
      %add3A_853 = vector.broadcast %add3A_852 : i32 to vector<16xi32>
      %add3A_854 = arith.addi %mul3A_683, %add3A_853 : vector<16xi32>
      %add3A_855 = arith.addi %add3A_854, %and3A_4 : vector<16xi32>
      %gather3A_856 = tpu.vector_load_idx %arg6[%shift_right_arithmetic3A_677, %add3A_855] : memref<256x128xi32, #tpu.memory_space<vmem>>[vector<16xi32>, vector<16xi32>], vector<16xi32>,
      %mul3A_857 = arith.constant 16 : i32
      %mul3A_858 = arith.muli %scan3A_10, %mul3A_857 : i32
      %add3A_859 = arith.constant 14 : i32
      %add3A_860 = arith.addi %mul3A_858, %add3A_859 : i32
      %swap3A_861 = arith.index_cast %add3A_860 : i32 to index
      %swap3A_862 = arith.constant 48 : index
      %swap3A_863 = tpu.vector_load %arg8[%swap3A_861, %swap3A_862] {strides = array<i32>} : memref<224x64xi32, #tpu.memory_space<vmem>>, vector<16xi32>,
      tpu.vector_store %arg8[%swap3A_861, %swap3A_862], %gather3A_856 {strides = array<i32>} : memref<224x64xi32, #tpu.memory_space<vmem>>, vector<16xi32>,
      %add3A_864 = arith.constant 60 : i32
      %add3A_865 = vector.broadcast %add3A_864 : i32 to vector<16xi32>
      %add3A_866 = arith.addi %mul3A_683, %add3A_865 : vector<16xi32>
      %add3A_867 = arith.addi %add3A_866, %and3A_4 : vector<16xi32>
      %gather3A_868 = tpu.vector_load_idx %arg6[%shift_right_arithmetic3A_677, %add3A_867] : memref<256x128xi32, #tpu.memory_space<vmem>>[vector<16xi32>, vector<16xi32>], vector<16xi32>,
      %mul3A_869 = arith.constant 16 : i32
      %mul3A_870 = arith.muli %scan3A_10, %mul3A_869 : i32
      %add3A_871 = arith.constant 15 : i32
      %add3A_872 = arith.addi %mul3A_870, %add3A_871 : i32
      %swap3A_873 = arith.index_cast %add3A_872 : i32 to index
      %swap3A_874 = arith.constant 48 : index
      %swap3A_875 = tpu.vector_load %arg8[%swap3A_873, %swap3A_874] {strides = array<i32>} : memref<224x64xi32, #tpu.memory_space<vmem>>, vector<16xi32>,
      tpu.vector_store %arg8[%swap3A_873, %swap3A_874], %gather3A_868 {strides = array<i32>} : memref<224x64xi32, #tpu.memory_space<vmem>>, vector<16xi32>,
    }
    %scan3A_9 = arith.constant 14 : i32
    "tpu.trace_stop"() : () -> ()
    "tpu.trace_start"() <{level = 10 : i32, message = "writeback"}> : () -> ()
    "tpu.region"() ({
      %run_scoped3A = tpu.sem_alloc : memref<!tpu.dma_semaphore, #tpu.memory_space<semaphore_mem>>
      %dma_start3A = arith.constant 0 : i32
      %dma_start3A_10 = arith.constant 0 : i32
      %dma_start3A_11 = tpu.memref_slice %arg4[%add3A, %dma_start3A, %dma_start3A_10] : memref<32x224x64xi32, #tpu.memory_space<hbm>> -> memref<1x224x64xi32, #tpu.memory_space<hbm>>
      %dma_start3A_12 = tpu.memref_squeeze %dma_start3A_11 : memref<1x224x64xi32, #tpu.memory_space<hbm>> -> memref<224x64xi32, #tpu.memory_space<hbm>>
      %dma_start3A_13 = arith.constant 0 : i32
      %dma_start3A_14 = arith.constant 0 : i32
      %dma_start3A_15 = tpu.memref_slice %arg4[%add3A, %dma_start3A_13, %dma_start3A_14] : memref<32x224x64xi32, #tpu.memory_space<hbm>> -> memref<1x224x64xi32, #tpu.memory_space<hbm>>
      %dma_start3A_16 = tpu.memref_squeeze %dma_start3A_15 : memref<1x224x64xi32, #tpu.memory_space<hbm>> -> memref<224x64xi32, #tpu.memory_space<hbm>>
      tpu.enqueue_dma source(%arg8 : memref<224x64xi32, #tpu.memory_space<vmem>>) target(%dma_start3A_16 : memref<224x64xi32, #tpu.memory_space<hbm>>) target_semaphore(%run_scoped3A : memref<!tpu.dma_semaphore, #tpu.memory_space<semaphore_mem>>)
      %dma_wait3A = arith.constant 0 : i32
      %dma_wait3A_17 = arith.constant 0 : i32
      %dma_wait3A_18 = tpu.memref_slice %arg4[%add3A, %dma_wait3A, %dma_wait3A_17] : memref<32x224x64xi32, #tpu.memory_space<hbm>> -> memref<1x224x64xi32, #tpu.memory_space<hbm>>
      %dma_wait3A_19 = tpu.memref_squeeze %dma_wait3A_18 : memref<1x224x64xi32, #tpu.memory_space<hbm>> -> memref<224x64xi32, #tpu.memory_space<hbm>>
      %dma_wait3A_20 = arith.constant 0 : i32
      %dma_wait3A_21 = arith.constant 0 : i32
      %dma_wait3A_22 = tpu.memref_slice %arg4[%add3A, %dma_wait3A_20, %dma_wait3A_21] : memref<32x224x64xi32, #tpu.memory_space<hbm>> -> memref<1x224x64xi32, #tpu.memory_space<hbm>>
      %dma_wait3A_23 = tpu.memref_squeeze %dma_wait3A_22 : memref<1x224x64xi32, #tpu.memory_space<hbm>> -> memref<224x64xi32, #tpu.memory_space<hbm>>
      tpu.wait_dma2 semaphore(%run_scoped3A : memref<!tpu.dma_semaphore, #tpu.memory_space<semaphore_mem>>) src(%arg8 : memref<224x64xi32, #tpu.memory_space<vmem>>) dst(%dma_wait3A_23 : memref<224x64xi32, #tpu.memory_space<hbm>>)
      tpu.yield
    }) : () -> ()
    "tpu.trace_stop"() : () -> ()
    return
  }
}

module attributes {stable_mosaic.version = 14 : i64} {
  func.func @_decode_body(%arg0: i32, %arg1: memref<1x224x64xi32, #tpu.memory_space<vmem>>, %arg2: memref<4x64x224xbf16, #tpu.memory_space<vmem>>, %arg3: memref<1x224x224xi32, #tpu.memory_space<vmem>>) attributes {dimension_semantics = [#tpu.dimension_semantics<arbitrary>], iteration_bounds = array<i64: 32>, scalar_prefetch = 0 : i64, scratch_operands = 0 : i64, tpu.core_type = #tpu.core_type<tc>, window_params = [{transform_indices = @transform_0, window_bounds = array<i64: 1, 224, 64>}, {pipeline_mode = #tpu.pipeline_mode<synchronous>, transform_indices = @transform_1, window_bounds = array<i64: 4, 64, 224>}, {transform_indices = @transform_2, window_bounds = array<i64: 1, 224, 224>}]} {
    %get3A = arith.constant 0 : index
    %get3A_0 = arith.constant 0 : index
    %get3A_1 = arith.constant 0 : index
    %get3A_2 = vector.load %arg1[%get3A, %get3A_0, %get3A_1] : memref<1x224x64xi32, #tpu.memory_space<vmem>>, vector<1x224x64xi32>
    %get3A_3 = vector.shape_cast %get3A_2 : vector<1x224x64xi32> to vector<224x64xi32>
    %broadcast_in_dim3A = arith.constant 0.000000e+00 : f32
    %broadcast_in_dim3A_4 = vector.broadcast %broadcast_in_dim3A : f32 to vector<224x224xf32>
    %shift_right_arithmetic3A = arith.constant 0 : i32
    %shift_right_arithmetic3A_5 = vector.broadcast %shift_right_arithmetic3A : i32 to vector<224x64xi32>
    %shift_right_arithmetic3A_6 = arith.shrsi %get3A_3, %shift_right_arithmetic3A_5 : vector<224x64xi32>
    %and3A = arith.constant 255 : i32
    %and3A_7 = vector.broadcast %and3A : i32 to vector<224x64xi32>
    %and3A_8 = arith.andi %shift_right_arithmetic3A_6, %and3A_7 : vector<224x64xi32>
    %convert_element_type3A = arith.sitofp %and3A_8 : vector<224x64xi32> to vector<224x64xbf16>
    %get3A_9 = arith.constant 0 : index
    %get3A_10 = arith.constant 0 : index
    %get3A_11 = arith.constant 0 : index
    %get3A_12 = vector.load %arg2[%get3A_9, %get3A_10, %get3A_11] : memref<4x64x224xbf16, #tpu.memory_space<vmem>>, vector<1x64x224xbf16>
    %get3A_13 = vector.shape_cast %get3A_12 : vector<1x64x224xbf16> to vector<64x224xbf16>
    %dot_general3A = arith.constant dense<0.000000e+00> : vector<224x224xf32>
    %dot_general3A_14 = tpu.matmul %convert_element_type3A, %get3A_13, %dot_general3A {dimension_numbers = #tpu.dot_dimension_numbers<[1], [0], [0], [1], [0, 0, 1, 1], [], []>, transpose_lhs_hint = false} : vector<224x64xbf16>, vector<64x224xbf16>, vector<224x224xf32> -> vector<224x224xf32>
    %add3A = arith.addf %broadcast_in_dim3A_4, %dot_general3A_14 : vector<224x224xf32>
    %shift_right_arithmetic3A_15 = arith.constant 8 : i32
    %shift_right_arithmetic3A_16 = vector.broadcast %shift_right_arithmetic3A_15 : i32 to vector<224x64xi32>
    %shift_right_arithmetic3A_17 = arith.shrsi %get3A_3, %shift_right_arithmetic3A_16 : vector<224x64xi32>
    %and3A_18 = arith.constant 255 : i32
    %and3A_19 = vector.broadcast %and3A_18 : i32 to vector<224x64xi32>
    %and3A_20 = arith.andi %shift_right_arithmetic3A_17, %and3A_19 : vector<224x64xi32>
    %convert_element_type3A_21 = arith.sitofp %and3A_20 : vector<224x64xi32> to vector<224x64xbf16>
    %get3A_22 = arith.constant 1 : index
    %get3A_23 = arith.constant 0 : index
    %get3A_24 = arith.constant 0 : index
    %get3A_25 = vector.load %arg2[%get3A_22, %get3A_23, %get3A_24] : memref<4x64x224xbf16, #tpu.memory_space<vmem>>, vector<1x64x224xbf16>
    %get3A_26 = vector.shape_cast %get3A_25 : vector<1x64x224xbf16> to vector<64x224xbf16>
    %dot_general3A_27 = arith.constant dense<0.000000e+00> : vector<224x224xf32>
    %dot_general3A_28 = tpu.matmul %convert_element_type3A_21, %get3A_26, %dot_general3A_27 {dimension_numbers = #tpu.dot_dimension_numbers<[1], [0], [0], [1], [0, 0, 1, 1], [], []>, transpose_lhs_hint = false} : vector<224x64xbf16>, vector<64x224xbf16>, vector<224x224xf32> -> vector<224x224xf32>
    %add3A_29 = arith.addf %add3A, %dot_general3A_28 : vector<224x224xf32>
    %shift_right_arithmetic3A_30 = arith.constant 16 : i32
    %shift_right_arithmetic3A_31 = vector.broadcast %shift_right_arithmetic3A_30 : i32 to vector<224x64xi32>
    %shift_right_arithmetic3A_32 = arith.shrsi %get3A_3, %shift_right_arithmetic3A_31 : vector<224x64xi32>
    %and3A_33 = arith.constant 255 : i32
    %and3A_34 = vector.broadcast %and3A_33 : i32 to vector<224x64xi32>
    %and3A_35 = arith.andi %shift_right_arithmetic3A_32, %and3A_34 : vector<224x64xi32>
    %convert_element_type3A_36 = arith.sitofp %and3A_35 : vector<224x64xi32> to vector<224x64xbf16>
    %get3A_37 = arith.constant 2 : index
    %get3A_38 = arith.constant 0 : index
    %get3A_39 = arith.constant 0 : index
    %get3A_40 = vector.load %arg2[%get3A_37, %get3A_38, %get3A_39] : memref<4x64x224xbf16, #tpu.memory_space<vmem>>, vector<1x64x224xbf16>
    %get3A_41 = vector.shape_cast %get3A_40 : vector<1x64x224xbf16> to vector<64x224xbf16>
    %dot_general3A_42 = arith.constant dense<0.000000e+00> : vector<224x224xf32>
    %dot_general3A_43 = tpu.matmul %convert_element_type3A_36, %get3A_41, %dot_general3A_42 {dimension_numbers = #tpu.dot_dimension_numbers<[1], [0], [0], [1], [0, 0, 1, 1], [], []>, transpose_lhs_hint = false} : vector<224x64xbf16>, vector<64x224xbf16>, vector<224x224xf32> -> vector<224x224xf32>
    %add3A_44 = arith.addf %add3A_29, %dot_general3A_43 : vector<224x224xf32>
    %shift_right_arithmetic3A_45 = arith.constant 24 : i32
    %shift_right_arithmetic3A_46 = vector.broadcast %shift_right_arithmetic3A_45 : i32 to vector<224x64xi32>
    %shift_right_arithmetic3A_47 = arith.shrsi %get3A_3, %shift_right_arithmetic3A_46 : vector<224x64xi32>
    %and3A_48 = arith.constant 255 : i32
    %and3A_49 = vector.broadcast %and3A_48 : i32 to vector<224x64xi32>
    %and3A_50 = arith.andi %shift_right_arithmetic3A_47, %and3A_49 : vector<224x64xi32>
    %convert_element_type3A_51 = arith.sitofp %and3A_50 : vector<224x64xi32> to vector<224x64xbf16>
    %get3A_52 = arith.constant 3 : index
    %get3A_53 = arith.constant 0 : index
    %get3A_54 = arith.constant 0 : index
    %get3A_55 = vector.load %arg2[%get3A_52, %get3A_53, %get3A_54] : memref<4x64x224xbf16, #tpu.memory_space<vmem>>, vector<1x64x224xbf16>
    %get3A_56 = vector.shape_cast %get3A_55 : vector<1x64x224xbf16> to vector<64x224xbf16>
    %dot_general3A_57 = arith.constant dense<0.000000e+00> : vector<224x224xf32>
    %dot_general3A_58 = tpu.matmul %convert_element_type3A_51, %get3A_56, %dot_general3A_57 {dimension_numbers = #tpu.dot_dimension_numbers<[1], [0], [0], [1], [0, 0, 1, 1], [], []>, transpose_lhs_hint = false} : vector<224x64xbf16>, vector<64x224xbf16>, vector<224x224xf32> -> vector<224x224xf32>
    %add3A_59 = arith.addf %add3A_44, %dot_general3A_58 : vector<224x224xf32>
    %convert_element_type3A_60 = arith.fptosi %add3A_59 : vector<224x224xf32> to vector<224x224xi32>
    %broadcast_in_dim3A_61 = vector.shape_cast %convert_element_type3A_60 : vector<224x224xi32> to vector<1x224x224xi32>
    %swap3A = arith.constant 0 : index
    %swap3A_62 = arith.constant 0 : index
    %swap3A_63 = arith.constant 0 : index
    %swap3A_64 = vector.load %arg3[%swap3A, %swap3A_62, %swap3A_63] : memref<1x224x224xi32, #tpu.memory_space<vmem>>, vector<1x224x224xi32>
    tpu.vector_store %arg3[%swap3A, %swap3A_62, %swap3A_63], %broadcast_in_dim3A_61 {strides = array<i32>} : memref<1x224x224xi32, #tpu.memory_space<vmem>>, vector<1x224x224xi32>,
    return
  }
  func.func @transform_0(%arg0: i32) -> (i32, i32, i32) {
    %c0_i32 = arith.constant 0 : i32
    %c0_i32_0 = arith.constant 0 : i32
    %c0_i32_1 = arith.constant 0 : i32
    return %arg0, %c0_i32, %c0_i32_0 : i32, i32, i32
  }
  func.func @transform_1(%arg0: i32) -> (i32, i32, i32) {
    %c0_i32 = arith.constant 0 : i32
    %c0_i32_0 = arith.constant 0 : i32
    %c0_i32_1 = arith.constant 0 : i32
    %c0_i32_2 = arith.constant 0 : i32
    return %c0_i32, %c0_i32_0, %c0_i32_1 : i32, i32, i32
  }
  func.func @transform_2(%arg0: i32) -> (i32, i32, i32) {
    %c0_i32 = arith.constant 0 : i32
    %c0_i32_0 = arith.constant 0 : i32
    %c0_i32_1 = arith.constant 0 : i32
    return %arg0, %c0_i32, %c0_i32_0 : i32, i32, i32
  }
}

module attributes {stable_mosaic.version = 14 : i64} {
  func.func @_assign_body(%arg0: i32, %arg1: memref<4x196x32xf32, #tpu.memory_space<vmem>>, %arg2: memref<32x512xf32, #tpu.memory_space<vmem>>, %arg3: memref<4x2x128xi32, #tpu.memory_space<vmem>>) attributes {dimension_semantics = [#tpu.dimension_semantics<arbitrary>], iteration_bounds = array<i64: 8>, scalar_prefetch = 0 : i64, scratch_operands = 0 : i64, tpu.core_type = #tpu.core_type<tc>, window_params = [{transform_indices = @transform_0, window_bounds = array<i64: 4, 196, 32>}, {pipeline_mode = #tpu.pipeline_mode<synchronous>, transform_indices = @transform_1, window_bounds = array<i64: 32, 512>}, {transform_indices = @transform_2, window_bounds = array<i64: 4, 2, 128>}]} {
    %get3A = arith.constant 0 : index
    %get3A_0 = arith.constant 0 : index
    %get3A_1 = arith.constant 0 : index
    %get3A_2 = vector.load %arg1[%get3A, %get3A_0, %get3A_1] : memref<4x196x32xf32, #tpu.memory_space<vmem>>, vector<4x196x32xf32>
    %reshape3A = vector.shape_cast %get3A_2 : vector<4x196x32xf32> to vector<784x32xf32>
    %get3A_3 = arith.constant 0 : index
    %get3A_4 = arith.constant 0 : index
    %get3A_5 = vector.load %arg2[%get3A_3, %get3A_4] : memref<32x512xf32, #tpu.memory_space<vmem>>, vector<32x512xf32>
    %dot_general3A = arith.constant dense<0.000000e+00> : vector<784x512xf32>
    %dot_general3A_6 = tpu.matmul %reshape3A, %get3A_5, %dot_general3A {dimension_numbers = #tpu.dot_dimension_numbers<[1], [0], [0], [1], [0, 0, 1, 1], [], []>, precision = #tpu.contract_precision<fp32>, transpose_lhs_hint = false} : vector<784x32xf32>, vector<32x512xf32>, vector<784x512xf32> -> vector<784x512xf32>
    %mul3A = arith.mulf %get3A_5, %get3A_5 : vector<32x512xf32>
    %reduce_sum3A = arith.constant dense<0.000000e+00> : vector<512xf32>
    %reduce_sum3A_7 = vector.multi_reduction <add>, %mul3A, %reduce_sum3A [0] : vector<32x512xf32> to vector<512xf32>
    %broadcast_in_dim3A = vector.shape_cast %reduce_sum3A_7 : vector<512xf32> to vector<1x512xf32>
    %mul3A_8 = arith.constant 2.000000e+00 : f32
    %mul3A_9 = vector.broadcast %mul3A_8 : f32 to vector<784x512xf32>
    %mul3A_10 = arith.mulf %mul3A_9, %dot_general3A_6 : vector<784x512xf32>
    %sub3A = vector.broadcast %broadcast_in_dim3A : vector<1x512xf32> to vector<784x512xf32>
    %sub3A_11 = arith.subf %sub3A, %mul3A_10 : vector<784x512xf32>
    %reduce_max3A = arith.constant dense<0xFF800000> : vector<784xf32>
    %reduce_max3A_12 = vector.multi_reduction <maximumf>, %sub3A_11, %reduce_max3A [1] : vector<784x512xf32> to vector<784xf32>
    %broadcast_in_dim3A_13 = vector.shape_cast %reduce_max3A_12 : vector<784xf32> to vector<784x1xf32>
    %iota3A = tpu.iota {dimensions = array<i32: 1>} : vector<784x512xi32>
    %ge3A = vector.broadcast %broadcast_in_dim3A_13 : vector<784x1xf32> to vector<784x512xf32>
    %ge3A_14 = arith.cmpf oge, %sub3A_11, %ge3A : vector<784x512xf32>
    %jit3A = arith.constant 512 : i32
    %broadcast_in_dim3A_15 = vector.broadcast %jit3A : i32 to vector<784x512xi32>
    %select_n3A = arith.select %ge3A_14, %iota3A, %broadcast_in_dim3A_15 : vector<784x512xi1>, vector<784x512xi32>
    %reduce_min3A = arith.constant dense<2147483647> : vector<784xi32>
    %reduce_min3A_16 = vector.multi_reduction <minsi>, %select_n3A, %reduce_min3A [1] : vector<784x512xi32> to vector<784xi32>
    %broadcast_in_dim3A_17 = vector.shape_cast %reduce_min3A_16 : vector<784xi32> to vector<784x1xi32>
    %reshape3A_18 = vector.shape_cast %broadcast_in_dim3A_17 : vector<784x1xi32> to vector<4x196x1xi32>
    %broadcast_in_dim3A_19 = arith.constant 0 : i32
    %broadcast_in_dim3A_20 = vector.broadcast %broadcast_in_dim3A_19 : i32 to vector<4x60x1xi32>
    %concatenate3A = tpu.concatenate %reshape3A_18, %broadcast_in_dim3A_20 in 1 : vector<4x196x1xi32>, vector<4x60x1xi32> -> vector<4x256x1xi32>
    %reshape3A_21 = vector.shape_cast %concatenate3A : vector<4x256x1xi32> to vector<1024x1xi32>
    %transpose3A = tpu.transpose %reshape3A_21, [1, 0] : vector<1024x1xi32> -> vector<1x1024xi32>
    %reshape3A_22 = vector.shape_cast %transpose3A : vector<1x1024xi32> to vector<4x2x128xi32>
    %swap3A = arith.constant 0 : index
    %swap3A_23 = arith.constant 0 : index
    %swap3A_24 = arith.constant 0 : index
    %swap3A_25 = vector.load %arg3[%swap3A, %swap3A_23, %swap3A_24] : memref<4x2x128xi32, #tpu.memory_space<vmem>>, vector<4x2x128xi32>
    tpu.vector_store %arg3[%swap3A, %swap3A_23, %swap3A_24], %reshape3A_22 {strides = array<i32>} : memref<4x2x128xi32, #tpu.memory_space<vmem>>, vector<4x2x128xi32>,
    return
  }
  func.func @transform_0(%arg0: i32) -> (i32, i32, i32) {
    %c0_i32 = arith.constant 0 : i32
    %c0_i32_0 = arith.constant 0 : i32
    %c0_i32_1 = arith.constant 0 : i32
    return %arg0, %c0_i32, %c0_i32_0 : i32, i32, i32
  }
  func.func @transform_1(%arg0: i32) -> (i32, i32) {
    %c0_i32 = arith.constant 0 : i32
    %c0_i32_0 = arith.constant 0 : i32
    %c0_i32_1 = arith.constant 0 : i32
    return %c0_i32, %c0_i32_0 : i32, i32
  }
  func.func @transform_2(%arg0: i32) -> (i32, i32, i32) {
    %c0_i32 = arith.constant 0 : i32
    %c0_i32_0 = arith.constant 0 : i32
    %c0_i32_1 = arith.constant 0 : i32
    return %arg0, %c0_i32, %c0_i32_0 : i32, i32, i32
  }
}

</mosaic_0001>

<sc_bundles>
// kernel: kernel.5.cloned.1.call-start
scs
__scs_entry_jumppad:
0x0: {  	(pc) =	sbr.rel $0x88, $3  }
0x1: {  	(tag) =	ssettag $0x0;
	lr =	simm.s32 $0x1  }
0x2: {  	[smem:$0x3F9E] =	sst lr;
	_ =	strace $0xD0000000  }
0x3: {  	_ = 	snop  }
0x4: {  	_ = 	snop  }
0x5: {  	_ = 	snop  }
0x6: {  	_ = 	snop  }
0x7: {  	_ = 	snop  }
__scs_overlays_trampoline_lowered:
0x8: {  	[smem:$0x3FAD] =	sst s0  }
0x9: {  	[smem:$0x3FAE] =	sst s1  }
0xa: {  	[smem:$0x3FAF] =	sst s2  }
0xb: {  	[smem:$0x3FB0] =	sst s3  }
0xc: {  	[smem:$0x3FB1] =	sst s4  }
0xd: {  	[smem:$0x3FB2] =	sst s5  }
0xe: {  	[smem:$0x3FB3] =	sst s6  }
0xf: {  	[smem:$0x3FB4] =	sst s7  }
0x10: {  	[smem:$0x3FB5] =	sst s8  }
0x11: {  	[smem:$0x3FB6] =	sst s9;
	s0 =	simm.s32 @!p0 $0x0  }
0x12: {  	s1 =	sld [smem:$0x3F9C];
	s0 =	simm.s32 @p0 $0x1  }
0x13: {  	[smem:$0x3FB7] =	sst s0;
	s0 =	simm.s32 @!p1 $0x0  }
0x14: {  	s2 =	sld [smem:$0x3F9B];
	s0 =	simm.s32 @p1 $0x1  }
0x15: {  	[smem:$0x3FB8] =	sst s0;
	s0 =	simm.s32 @!p2 $0x0  }
0x16: {  	s3 =	sld [smem:$0x3FDB];
	s0 =	simm.s32 @p2 $0x1  }
0x17: {  	s4 =	simm.s32 $0x1BF5;
	[smem:$0x3FBA] =	sst s0  }
0x18: {  	s0 =	sld [smem:$0x3F9D];
	_ =	swait.ge [sflag:s4], $0x0  }
0x19: {  	s7 =	sld [smem:$0x3F9E]  }
0x1a: {  	s8 =	sadd.s32 $0xFFFFE003, lr  }
0x1b: {  	s9 =	sadd.s32 $0xFFFFFEF7, lr;
	s5 =	simm.s32 $0xFFFFFFFF;
	p2 =	slt.u32 s8, $0xFFFFF086  }
0x1c: {  	p1 =	slt.u32 s9, $0xF7A;
	s5 =	simm.s32 @!p2 $0x0  }
0x1d: {  	s5 =	simm.s32 @p1 $0x1;
	p0 =	seq.s32 s7, s2  }
0x1e: {  	s7 =	smul.u32 @!p0 $0xF7A, s2;
	p2 =	seq.s32 @!p0 s5, $0x0  }
0x1f: {  	s9 =	smul.u32 $0xF7A, s1;
	s8 =	simm.s32 @!p0 $0x1BF5;
	p2 =	por !p2, p0  }
0x20: {  	[sflag:s8] =	ssyncset.s32 @!p0 $0xFFFFF086;
	s6 =	sadd.s32 @!p0 s3, s7;
	s7 =	simm.s32 @!p0 $0x108  }
0x21: {  	s3 =	sadd.s32 s3, s9;
	s6 =	sadd.s32 @!p0 $0x88, s6;
	s7 =	simm.s32 @p2 $0x1082  }
0x22: {  	[simem:s7], [sflag:s8] =	dma.local @!p0 [hbm:s6], $0xF7A  }
0x23: {  	s9 =	sor.u32 $0xD0000000, s2;
	s6 =	simm.s32 $0x108;
	_ =	swait.ge @!p0 [sflag:s8], $0x0  }
0x24: {  	s3 =	sadd.s32 $0x88, s3;
	s6 =	simm.s32 @!p1 $0x1082;
	[sflag:s4] =	ssyncset.s32 $0xFFFFF086  }
0x25: {  	[simem:s6], [sflag:s4] =	dma.local [hbm:s3], $0xF7A  }
0x26: {  	[smem:$0x3F9E] =	sst s1;
	(tag) =	ssettag s2;
	_ =	strace s9  }
0x27: {  	s1 =	sld [smem:$0x3FAE]  }
0x28: {  	s2 =	sld [smem:$0x3FAF]  }
0x29: {  	s4 =	sld [smem:$0x3FB1]  }
0x2a: {  	p0 =	seq.s32 s5, $0x0;
	s5 =	sld [smem:$0x3FB2]  }
0x2b: {  	s6 =	sld [smem:$0x3FB3]  }
0x2c: {  	s7 =	sld [smem:$0x3FB4]  }
0x2d: {  	s3 =	simm.s32 $0x108;
	s8 =	sld [smem:$0x3FB5]  }
0x2e: {  	s3 =	simm.s32 @!p0 $0x1082;
	s9 =	sld [smem:$0x3FB6]  }
0x2f: {  	lr =	sadd.s32 s0, s3;
	s0 =	sld [smem:$0x3FAD]  }
0x30: {  	s3 =	sld [smem:$0x3FB0]  }
0x31: {  	[smem:$0x3FB9] =	sst s10  }
0x32: {  	s10 =	sld [smem:$0x3FB7];
	_ =	sdelay $0x3  }
0x33: {  	p0 =	seq.s32 s10, $0x1;
	s10 =	sld [smem:$0x3FB9];
	_ =	sdelay $0x3  }
0x34: {  	[smem:$0x3FB9] =	sst s10  }
0x35: {  	s10 =	sld [smem:$0x3FB8];
	_ =	sdelay $0x3  }
0x36: {  	p1 =	seq.s32 s10, $0x1;
	s10 =	sld [smem:$0x3FB9];
	_ =	sdelay $0x3  }
0x37: {  	[smem:$0x3FB9] =	sst s10  }
0x38: {  	s10 =	sld [smem:$0x3FBA]  }
0x39: {  	_ = 	snop;
	(pc) =	sbr.ind lr, $3  }
0x3a: {  	_ = 	snop  }
0x3b: {  	_ = 	snop  }
0x3c: {  	p2 =	seq.s32 s10, $0x1;
	s10 =	sld [smem:$0x3FB9]  }
0x3d: {  	_ =	shalt  }
0x3e: {  	_ =	shalt  }
0x3f: {  	_ =	shalt  }
0x40: {  	_ =	shalt  }
0x41: {  	_ =	shalt  }
0x42: {  	_ =	shalt  }
0x43: {  	_ =	shalt  }
0x44: {  	_ =	shalt  }
0x45: {  	_ =	shalt  }
0x46: {  	_ =	shalt  }
0x47: {  	_ =	shalt  }
0x48: {  	_ =	shalt  }
0x49: {  	_ =	shalt  }
0x4a: {  	_ =	shalt  }
0x4b: {  	_ =	shalt  }
0x4c: {  	_ =	shalt  }
0x4d: {  	_ =	shalt  }
0x4e: {  	_ =	shalt  }
0x4f: {  	_ =	shalt  }
0x50: {  	_ =	shalt  }
0x51: {  	_ =	shalt  }
0x52: {  	_ =	shalt  }
0x53: {  	_ =	shalt  }
0x54: {  	_ =	shalt  }
0x55: {  	_ =	shalt  }
0x56: {  	_ =	shalt  }
0x57: {  	_ =	shalt  }
0x58: {  	_ =	shalt  }
0x59: {  	_ =	shalt  }
0x5a: {  	_ =	shalt  }
0x5b: {  	_ =	shalt  }
0x5c: {  	_ =	shalt  }
0x5d: {  	_ =	shalt  }
0x5e: {  	_ =	shalt  }
0x5f: {  	_ =	shalt  }
0x60: {  	_ =	shalt  }
0x61: {  	_ =	shalt  }
0x62: {  	_ =	shalt  }
0x63: {  	_ =	shalt  }
0x64: {  	_ =	shalt  }
0x65: {  	_ =	shalt  }
0x66: {  	_ =	shalt  }
0x67: {  	_ =	shalt  }
0x68: {  	_ =	shalt  }
0x69: {  	_ =	shalt  }
0x6a: {  	_ =	shalt  }
0x6b: {  	_ =	shalt  }
0x6c: {  	_ =	shalt  }
0x6d: {  	_ =	shalt  }
0x6e: {  	_ =	shalt  }
0x6f: {  	_ =	shalt  }
0x70: {  	_ =	shalt  }
0x71: {  	_ =	shalt  }
0x72: {  	_ =	shalt  }
0x73: {  	_ =	shalt  }
0x74: {  	_ =	shalt  }
0x75: {  	_ =	shalt  }
0x76: {  	_ =	shalt  }
0x77: {  	_ =	shalt  }
0x78: {  	_ =	shalt  }
0x79: {  	_ =	shalt  }
0x7a: {  	_ =	shalt  }
0x7b: {  	_ =	shalt  }
0x7c: {  	_ =	shalt  }
0x7d: {  	_ =	shalt  }
0x7e: {  	_ =	shalt  }
0x7f: {  	_ =	shalt  }
0x80: {  	_ =	shalt  }
0x81: {  	_ =	shalt  }
0x82: {  	_ =	shalt  }
0x83: {  	_ =	shalt  }
0x84: {  	_ =	shalt  }
0x85: {  	_ =	shalt  }
0x86: {  	_ =	shalt  }
0x87: {  	_ =	shalt  }
.Lfunc_end0:
.L_simem_size_0:
called_computation_lowered:
.L_overlay_start_0:
0x88: {  	s2 =	sld [smem:$0x3FD9]  }
0x89: {  	s3 =	sld [smem:$0x3FFE];
	_ =	sdelay $0x1  }
0x8a: {  	s1 =	srdreg.scid  }
0x8b: {  	s0 =	sand.u32 $0x1, s1  }
0x8c: {  	s17 =	sshll.u32 s0, $0xA;
	s2 =	sadd.s32 s3, s2  }
0x8d: {  	s2 =	sadd.s32 s2, s17  }
0x8e: {  	[smem:$0x3FC5] =	sst s2  }
0x8f: {  	_ = 	snop  }
0x90: {  	s2 =	sld [smem:$0x3FD0];
	(tm) =	ssettm $0x1  }
0x91: {  	s18 =	sld [smem:$0x3FFB];
	_ =	sdelay $0x3  }
0x92: {  	_ =	strace s18  }
0x93: {  	s3 =	sld [smem:$0x3FFC];
	_ =	sdelay $0x3  }
0x94: {  	_ =	strace s3  }
0x95: {  	s3 =	sld [smem:$0x3FFD];
	_ =	sdelay $0x3  }
0x96: {  	_ =	strace s3  }
0x97: {  	_ =	strace $0x8FFFFFFF  }
0x98: {  	s19 =	sld [smem:$0x3FDB];
	_ =	sdelay $0x1  }
0x99: {  	s4 =	simm.s32 $_scs_section_size  }
0x9a: {  	s5 =	simm.s32 $_size__tile_overlayer_lowered;
	s6 =	simm.s32 $_tile_overlayer_lowered  }
0x9b: {  	s22 =	simm.s32 $0x1BFF;
	s21 =	sshll.u32 s6, $0x1;
	s3 =	sadd.s32 s4, s19  }
0x9c: {  	s7 =	simm.s32 $0x0;
	s20 =	sshll.u32 s5, $0x1;
	s5 =	sadd.s32 s21, s3  }
0x9d: {  	[timem:s7], [sflag:s22] =	dma.local [hbm:s5], s20  }
0x9e: {  	_ =	swait.ge [sflag:s22], s20  }
0x9f: {  	s4 =	ssub.s32 $0x0, s20;
	[sflag:s22] =	ssyncset.done $0x0  }
0xa0: {  	[sflag:s22] =	ssyncadd.s32 s4;
	_ =	sdelay $0x1  }
0xa1: {  	s23 =	simm.s32 $0x1B8B  }
0xa2: {  	_ =	swait.ge [sflag:s23], $0x1  }
0xa3: {  	[sflag:s23] =	ssyncset.done $0x0  }
0xa4: {  	s25 =	simm.s32 $0x1B8E;
	s24 =	sld [smem:$0x3FFE];
	[sflag:s23] =	ssyncadd.s32 $0xFFFFFFFF  }
0xa5: {  	s26 =	simm.s32 $execute0_lowered;
	[smem:$0x3FD2] =	sst s25  }
0xa6: {  	s5 =	sshll.u32 s26, $0x1;
	_ =	strace $0x80000046;
	[dreg:$0x1] =	wrdreg $0xFFFFFFFF  }
0xa7: {  	s28 =	simm.s32 $_size_execute0_lowered;
	s3 =	sadd.s32 s3, s5;
	[dreg:$0x0] =	wrdreg $0x0  }
0xa8: {  	s5 =	sshll.u32 s28, $0x1;
	[dreg:$0x2] =	wrdreg s3  }
0xa9: {  	[dreg:$0x3] =	wrdreg s5  }
0xaa: {  	[dreg:$0x4] =	wrdreg $0xC0  }
0xab: {  	_ =	task [dreg:s7], $0x5FFFF  }
0xac: {  	[dreg:$0x1] =	wrdreg $0xFFFFFFFF  }
0xad: {  	[dreg:$0x0] =	wrdreg $0x60  }
0xae: {  	[dreg:$0x2] =	wrdreg s24  }
0xaf: {  	[dreg:$0x3] =	wrdreg s2  }
0xb0: {  	[dreg:$0x4] =	wrdreg $0x0  }
0xb1: {  	[dreg:$0x5] =	wrdreg $0x9  }
0xb2: {  	_ =	task.clear_ibuf [dreg:s7], $0x6FFFF;
	_ =	strace $0x90000046  }
0xb3: {  	s29 =	simm.s32 $0x9;
	_ =	strace $0x8000004B  }
0xb4: {  	_ =	swait.ge [sflag:s29], $0x1  }
0xb5: {  	[sflag:s29] =	ssyncadd.s32 $0xFFFFFFFF  }
0xb6: {  	_ =	strace $0x9000004B  }
0xb7: {  	_ =	sfence  }
0xb8: {  	s30 =	sld [smem:$0x0];
	_ =	sdelay $0x2  }
0xb9: {  	s31 =	sshll.u32 s1, $0xD;
	s1 =	sshrl.u32 s1, $0x2  }
0xba: {  	s3 =	sand.u32 $0x4000, s31;
	s1 =	sadd.s32 s1, s30  }
0xbb: {  	s0 =	sor.u32 s3, s0;
	s1 =	sshll.u32 s1, $0x11  }
0xbc: {  	s0 =	sor.u32 s1, s0  }
0xbd: {  	s0 =	sadd.s32 $0x8F2B, s0  }
0xbe: {  	[sflag:s0] =	ssyncadd.remote.s32 $0x1  }
0xbf: {  	_ =	sfence.sel $0xFFFF  }
0xc0: {  	[dreg:$0x0] =	wrdreg $0xFFFFFFFF;
	(pc) =	sbr.abs _section_cstart, $3  }
0xc1: {  	[dreg:$0x1] =	wrdreg $0xFFFFFFFF  }
0xc2: {  	_ =	task.clear_ibuf [dreg:s7], $0x2FFFF;
	_ =	strace $0x9FFFFFFF  }
0xc3: {  	(tm) =	ssettm $0x7FFFFFFF  }
tec
execute0_lowered:
.L_overlay_start_1:
0x0: {  	(tag) =	ssettag $0x1  }
0x1: {  	s3 =	rddreg [dreg:$0x0]  }
0x2: {  	s5 =	rddreg [dreg:$0x1]  }
0x3: {  	s1 =	rddreg [dreg:$0x2]  }
0x4: {  	s7 =	stileid.u32;
	s4 =	srdreg.scid  }
0x5: {  	s0 =	rddreg [dreg:$0x3];
	s2 =	simm.s32 $0x0;
	s10 =	simm.s32 $0x8800  }
0x6: {  	v16 =	vlaneseq.u32;
	s11 =	simm.s32 $0x8900;
	s12 =	simm.s32 $0x0;
	s6 =	smul.u32 $0x15, s7  }
0x7: {  	s4 =	sand.u32 $0x1, s4;
	[smem:$0x7FF] =	sst s2;
	v0 =	vshrl.u32 v16, $0x2;
	v1 =	vand.u32 $0x3, v16;
	p0 =	sne.s32 s7, $0x0  }
0x8: {  	v16 =	vor.u32 $0x3C, v16;
	_ =	strace $0x80000047;
	v2 =	vor.u32 $0x4, v1;
	v3 =	vor.u32 $0x8, v1;
	s7 =	sshrl.u32 @!p0 s1, $0x3;
	s6 =	sadd.s32 s4, s6  }
0x9: {  	v4 =	vor.u32 $0xC, v1;
	v5 =	vor.u32 $0x10, v1;
	v6 =	vor.u32 $0x14, v1;
	s4 =	ssub.s32 $0x2, s4;
	s8 =	sshll.u32 s6, $0x5;
	s6 =	smul.u32 $0xE00, s6  }
0xa: {  	v7 =	vor.u32 $0x18, v1;
	v8 =	vor.u32 $0x1C, v1;
	v9 =	vor.u32 $0x20, v1;
	s9 =	sshrl.u32 s4, $0x1;
	s8 =	sadd.s32 s8, s3;
	s3 =	sadd.s32 $0x1000, s3  }
0xb: {  	v10 =	vor.u32 $0x24, v1;
	v11 =	vor.u32 $0x28, v1;
	v12 =	vor.u32 $0x2C, v1;
	s9 =	ssub.s32 s4, s9;
	s4 =	sadd.s32 $0x2000, s8;
	s5 =	sadd.s32 s5, s6  }
0xc: {  	v13 =	vor.u32 $0x30, v1;
	v14 =	vor.u32 $0x34, v1;
	v15 =	vor.u32 $0x38, v1;
	s6 =	smax.u32 s9, $0x1;
	s8 =	simm.s32 $0x800;
	s9 =	simm.s32 $0x1  }
.LBB2_1:
0xd: {  	_ =	strace $0x80000048;
	s13 =	simm.s32 @!p0 $0x1C01  }
0xe: {  	[spmem:s7], [sflag:s13] =	dma.local @!p0 [hbm:s3], $0x1000  }
0xf: {  	s13 =	simm.s32 @!p0 $0x1  }
0x10: {  	_ =	swait.ge @!p0 [sflag:s13], $0x1000  }
0x11: {  	[sflag:s13] =	ssyncset.done @!p0 $0x0  }
0x12: {  	[sflag:s13] =	ssyncadd.s32 @!p0 $0xFFFFF000  }
0x13: {  	[bflag:$0x0] =	sbarrier.arrive $0xFFFF  }
0x14: {  	[tilespmem:s8], [sflag:$0x1] =	stream.linear.gather [spmem:s1], $0x8000, $0x200038;
	[tilespmem:$0xF900] =	vst v63  }
0x15: {  	_ =	swait.ge [sflag:s9], $0x8000  }
0x16: {  	[sflag:s9] =	ssyncset.done $0x0  }
0x17: {  	[sflag:s9] =	ssyncadd.s32 $0xFFFF8000  }
0x18: {  	[tilespmem:s10], [sflag:$0x1] =	stream.linear.gather [hbm4b:s4+s2], $0x100, $0x200038;
	[tilespmem:$0xF900] =	vst v63  }
0x19: {  	_ =	swait.ge [sflag:s9], $0x100  }
0x1a: {  	[sflag:s9] =	ssyncset.done $0x0  }
0x1b: {  	[sflag:s9] =	ssyncadd.s32 $0xFFFFFF00  }
0x1c: {  	_ =	strace $0x90000048  }
0x1d: {  	s14 =	simm.s32 $0x8D00;
	s13 =	simm.s32 $0xC;
	_ =	strace $0x80000049  }
.LBB2_2:
0x1e: {  	s15 =	sadd.s32 $0xFFFFFFF4, s13  }
0x1f: {  	v17 =	vadd.s32 s15, v0;
	_ =	sdelay $0x4  }
0x20: {  	v17 =	vld.idx.msk [tilespmem:v17+s10+$0x0], $0xffff;
	_ =	sdelay $0x4  }
0x21: {  	v17 =	vshll.u32 v17, $0x6  }
0x22: {  	v18 =	vor.u32 v1, v17;
	_ =	sdelay $0x4  }
0x23: {  	v18 =	vld.idx.msk [tilespmem:v18+s8+$0x0], $0xffff  }
0x24: {  	v19 =	vor.u32 v2, v17;
	_ =	sdelay $0x3  }
0x25: {  	[tilespmem:s14+$0xFFFFFC00] =	vst v18  }
0x26: {  	v18 =	vld.idx.msk [tilespmem:v19+s8+$0x0], $0xffff  }
0x27: {  	v19 =	vor.u32 v3, v17;
	_ =	sdelay $0x3  }
0x28: {  	[tilespmem:s14+$0xFFFFFC80] =	vst v18  }
0x29: {  	v18 =	vld.idx.msk [tilespmem:v19+s8+$0x0], $0xffff  }
0x2a: {  	v19 =	vor.u32 v4, v17;
	_ =	sdelay $0x3  }
0x2b: {  	[tilespmem:s14+$0xFFFFFD00] =	vst v18  }
0x2c: {  	v18 =	vld.idx.msk [tilespmem:v19+s8+$0x0], $0xffff  }
0x2d: {  	v19 =	vor.u32 v5, v17;
	_ =	sdelay $0x3  }
0x2e: {  	[tilespmem:s14+$0xFFFFFD80] =	vst v18  }
0x2f: {  	v18 =	vld.idx.msk [tilespmem:v19+s8+$0x0], $0xffff  }
0x30: {  	v19 =	vor.u32 v6, v17;
	_ =	sdelay $0x3  }
0x31: {  	[tilespmem:s14+$0xFFFFFE00] =	vst v18  }
0x32: {  	v18 =	vld.idx.msk [tilespmem:v19+s8+$0x0], $0xffff  }
0x33: {  	v19 =	vor.u32 v7, v17;
	_ =	sdelay $0x3  }
0x34: {  	[tilespmem:s14+$0xFFFFFE80] =	vst v18  }
0x35: {  	v18 =	vld.idx.msk [tilespmem:v19+s8+$0x0], $0xffff  }
0x36: {  	v19 =	vor.u32 v8, v17;
	_ =	sdelay $0x3  }
0x37: {  	[tilespmem:s14+$0xFFFFFF00] =	vst v18  }
0x38: {  	v18 =	vld.idx.msk [tilespmem:v19+s8+$0x0], $0xffff  }
0x39: {  	v19 =	vor.u32 v9, v17;
	_ =	sdelay $0x3  }
0x3a: {  	[tilespmem:s14+$0xFFFFFF80] =	vst v18  }
0x3b: {  	v18 =	vld.idx.msk [tilespmem:v19+s8+$0x0], $0xffff  }
0x3c: {  	v19 =	vor.u32 v10, v17;
	_ =	sdelay $0x3  }
0x3d: {  	[tilespmem:s14+$0x0] =	vst v18  }
0x3e: {  	v18 =	vld.idx.msk [tilespmem:v19+s8+$0x0], $0xffff  }
0x3f: {  	v19 =	vor.u32 v11, v17;
	_ =	sdelay $0x3  }
0x40: {  	[tilespmem:s14+$0x80] =	vst v18  }
0x41: {  	v18 =	vld.idx.msk [tilespmem:v19+s8+$0x0], $0xffff  }
0x42: {  	v19 =	vor.u32 v12, v17;
	_ =	sdelay $0x3  }
0x43: {  	[tilespmem:s14+$0x100] =	vst v18  }
0x44: {  	v18 =	vld.idx.msk [tilespmem:v19+s8+$0x0], $0xffff  }
0x45: {  	v19 =	vor.u32 v13, v17;
	_ =	sdelay $0x3  }
0x46: {  	[tilespmem:s14+$0x180] =	vst v18  }
0x47: {  	v18 =	vld.idx.msk [tilespmem:v19+s8+$0x0], $0xffff  }
0x48: {  	v19 =	vor.u32 v14, v17;
	_ =	sdelay $0x3  }
0x49: {  	[tilespmem:s14+$0x200] =	vst v18  }
0x4a: {  	v18 =	vld.idx.msk [tilespmem:v19+s8+$0x0], $0xffff  }
0x4b: {  	v19 =	vor.u32 v15, v17;
	_ =	sdelay $0x3  }
0x4c: {  	[tilespmem:s14+$0x280] =	vst v18  }
0x4d: {  	v18 =	vld.idx.msk [tilespmem:v19+s8+$0x0], $0xffff  }
0x4e: {  	v17 =	vor.u32 v16, v17;
	_ =	sdelay $0x3  }
0x4f: {  	[tilespmem:s14+$0x300] =	vst v18  }
0x50: {  	s30 =	sadd.s32 $0xFFFFFFF8, s13;
	v17 =	vld.idx.msk [tilespmem:v17+s8+$0x0], $0xffff  }
0x51: {  	v18 =	vadd.s32 s30, v0;
	_ =	sdelay $0x3  }
0x52: {  	[tilespmem:s14+$0x380] =	vst v17  }
0x53: {  	v17 =	vld.idx.msk [tilespmem:v18+s10+$0x0], $0xffff;
	_ =	sdelay $0x4  }
0x54: {  	v17 =	vshll.u32 v17, $0x6  }
0x55: {  	v18 =	vor.u32 v1, v17;
	_ =	sdelay $0x4  }
0x56: {  	v18 =	vld.idx.msk [tilespmem:v18+s8+$0x0], $0xffff  }
0x57: {  	v19 =	vor.u32 v2, v17;
	_ =	sdelay $0x3  }
0x58: {  	[tilespmem:s14+$0xFFFFFC10] =	vst v18  }
0x59: {  	v18 =	vld.idx.msk [tilespmem:v19+s8+$0x0], $0xffff  }
0x5a: {  	v19 =	vor.u32 v3, v17;
	_ =	sdelay $0x3  }
0x5b: {  	[tilespmem:s14+$0xFFFFFC90] =	vst v18  }
0x5c: {  	v18 =	vld.idx.msk [tilespmem:v19+s8+$0x0], $0xffff  }
0x5d: {  	v19 =	vor.u32 v4, v17;
	_ =	sdelay $0x3  }
0x5e: {  	[tilespmem:s14+$0xFFFFFD10] =	vst v18  }
0x5f: {  	v18 =	vld.idx.msk [tilespmem:v19+s8+$0x0], $0xffff  }
0x60: {  	v19 =	vor.u32 v5, v17;
	_ =	sdelay $0x3  }
0x61: {  	[tilespmem:s14+$0xFFFFFD90] =	vst v18  }
0x62: {  	v18 =	vld.idx.msk [tilespmem:v19+s8+$0x0], $0xffff  }
0x63: {  	v19 =	vor.u32 v6, v17;
	_ =	sdelay $0x3  }
0x64: {  	[tilespmem:s14+$0xFFFFFE10] =	vst v18  }
0x65: {  	v18 =	vld.idx.msk [tilespmem:v19+s8+$0x0], $0xffff  }
0x66: {  	v19 =	vor.u32 v7, v17;
	_ =	sdelay $0x3  }
0x67: {  	[tilespmem:s14+$0xFFFFFE90] =	vst v18  }
0x68: {  	v18 =	vld.idx.msk [tilespmem:v19+s8+$0x0], $0xffff  }
0x69: {  	v19 =	vor.u32 v8, v17;
	_ =	sdelay $0x3  }
0x6a: {  	[tilespmem:s14+$0xFFFFFF10] =	vst v18  }
0x6b: {  	v18 =	vld.idx.msk [tilespmem:v19+s8+$0x0], $0xffff  }
0x6c: {  	v19 =	vor.u32 v9, v17;
	_ =	sdelay $0x3  }
0x6d: {  	[tilespmem:s14+$0xFFFFFF90] =	vst v18  }
0x6e: {  	v18 =	vld.idx.msk [tilespmem:v19+s8+$0x0], $0xffff  }
0x6f: {  	v19 =	vor.u32 v10, v17;
	_ =	sdelay $0x3  }
0x70: {  	[tilespmem:s14+$0x10] =	vst v18  }
0x71: {  	v18 =	vld.idx.msk [tilespmem:v19+s8+$0x0], $0xffff  }
0x72: {  	v19 =	vor.u32 v11, v17;
	_ =	sdelay $0x3  }
0x73: {  	[tilespmem:s14+$0x90] =	vst v18  }
0x74: {  	v18 =	vld.idx.msk [tilespmem:v19+s8+$0x0], $0xffff  }
0x75: {  	v19 =	vor.u32 v12, v17;
	_ =	sdelay $0x3  }
0x76: {  	[tilespmem:s14+$0x110] =	vst v18  }
0x77: {  	v18 =	vld.idx.msk [tilespmem:v19+s8+$0x0], $0xffff  }
0x78: {  	v19 =	vor.u32 v13, v17;
	_ =	sdelay $0x3  }
0x79: {  	[tilespmem:s14+$0x190] =	vst v18  }
0x7a: {  	v18 =	vld.idx.msk [tilespmem:v19+s8+$0x0], $0xffff  }
0x7b: {  	v19 =	vor.u32 v14, v17;
	_ =	sdelay $0x3  }
0x7c: {  	[tilespmem:s14+$0x210] =	vst v18  }
0x7d: {  	v18 =	vld.idx.msk [tilespmem:v19+s8+$0x0], $0xffff  }
0x7e: {  	v19 =	vor.u32 v15, v17;
	_ =	sdelay $0x3  }
0x7f: {  	[tilespmem:s14+$0x290] =	vst v18  }
0x80: {  	v18 =	vld.idx.msk [tilespmem:v19+s8+$0x0], $0xffff  }
0x81: {  	v17 =	vor.u32 v16, v17;
	_ =	sdelay $0x3  }
0x82: {  	[tilespmem:s14+$0x310] =	vst v18  }
0x83: {  	s31 =	sadd.s32 $0xFFFFFFFC, s13;
	v17 =	vld.idx.msk [tilespmem:v17+s8+$0x0], $0xffff  }
0x84: {  	v18 =	vadd.s32 s31, v0;
	_ =	sdelay $0x3  }
0x85: {  	[tilespmem:s14+$0x390] =	vst v17  }
0x86: {  	v17 =	vld.idx.msk [tilespmem:v18+s10+$0x0], $0xffff;
	_ =	sdelay $0x4  }
0x87: {  	v17 =	vshll.u32 v17, $0x6  }
0x88: {  	v18 =	vor.u32 v1, v17;
	_ =	sdelay $0x4  }
0x89: {  	v18 =	vld.idx.msk [tilespmem:v18+s8+$0x0], $0xffff  }
0x8a: {  	v19 =	vor.u32 v2, v17;
	_ =	sdelay $0x3  }
0x8b: {  	[tilespmem:s14+$0xFFFFFC20] =	vst v18  }
0x8c: {  	v18 =	vld.idx.msk [tilespmem:v19+s8+$0x0], $0xffff  }
0x8d: {  	v19 =	vor.u32 v3, v17;
	_ =	sdelay $0x3  }
0x8e: {  	[tilespmem:s14+$0xFFFFFCA0] =	vst v18  }
0x8f: {  	v18 =	vld.idx.msk [tilespmem:v19+s8+$0x0], $0xffff  }
0x90: {  	v19 =	vor.u32 v4, v17;
	_ =	sdelay $0x3  }
0x91: {  	[tilespmem:s14+$0xFFFFFD20] =	vst v18  }
0x92: {  	v18 =	vld.idx.msk [tilespmem:v19+s8+$0x0], $0xffff  }
0x93: {  	v19 =	vor.u32 v5, v17;
	_ =	sdelay $0x3  }
0x94: {  	[tilespmem:s14+$0xFFFFFDA0] =	vst v18  }
0x95: {  	v18 =	vld.idx.msk [tilespmem:v19+s8+$0x0], $0xffff  }
0x96: {  	v19 =	vor.u32 v6, v17;
	_ =	sdelay $0x3  }
0x97: {  	[tilespmem:s14+$0xFFFFFE20] =	vst v18  }
0x98: {  	v18 =	vld.idx.msk [tilespmem:v19+s8+$0x0], $0xffff  }
0x99: {  	v19 =	vor.u32 v7, v17;
	_ =	sdelay $0x3  }
0x9a: {  	[tilespmem:s14+$0xFFFFFEA0] =	vst v18  }
0x9b: {  	v18 =	vld.idx.msk [tilespmem:v19+s8+$0x0], $0xffff  }
0x9c: {  	v19 =	vor.u32 v8, v17;
	_ =	sdelay $0x3  }
0x9d: {  	[tilespmem:s14+$0xFFFFFF20] =	vst v18  }
0x9e: {  	v18 =	vld.idx.msk [tilespmem:v19+s8+$0x0], $0xffff  }
0x9f: {  	v19 =	vor.u32 v9, v17;
	_ =	sdelay $0x3  }
0xa0: {  	[tilespmem:s14+$0xFFFFFFA0] =	vst v18  }
0xa1: {  	v18 =	vld.idx.msk [tilespmem:v19+s8+$0x0], $0xffff  }
0xa2: {  	v19 =	vor.u32 v10, v17;
	_ =	sdelay $0x3  }
0xa3: {  	[tilespmem:s14+$0x20] =	vst v18  }
0xa4: {  	v18 =	vld.idx.msk [tilespmem:v19+s8+$0x0], $0xffff  }
0xa5: {  	v19 =	vor.u32 v11, v17;
	_ =	sdelay $0x3  }
0xa6: {  	[tilespmem:s14+$0xA0] =	vst v18  }
0xa7: {  	v18 =	vld.idx.msk [tilespmem:v19+s8+$0x0], $0xffff  }
0xa8: {  	v19 =	vor.u32 v12, v17;
	_ =	sdelay $0x3  }
0xa9: {  	[tilespmem:s14+$0x120] =	vst v18  }
0xaa: {  	v18 =	vld.idx.msk [tilespmem:v19+s8+$0x0], $0xffff  }
0xab: {  	v19 =	vor.u32 v13, v17;
	_ =	sdelay $0x3  }
0xac: {  	[tilespmem:s14+$0x1A0] =	vst v18  }
0xad: {  	v18 =	vld.idx.msk [tilespmem:v19+s8+$0x0], $0xffff  }
0xae: {  	v19 =	vor.u32 v14, v17;
	_ =	sdelay $0x3  }
0xaf: {  	[tilespmem:s14+$0x220] =	vst v18  }
0xb0: {  	v18 =	vld.idx.msk [tilespmem:v19+s8+$0x0], $0xffff  }
0xb1: {  	v19 =	vor.u32 v15, v17;
	_ =	sdelay $0x3  }
0xb2: {  	[tilespmem:s14+$0x2A0] =	vst v18  }
0xb3: {  	v18 =	vld.idx.msk [tilespmem:v19+s8+$0x0], $0xffff  }
0xb4: {  	v17 =	vor.u32 v16, v17;
	_ =	sdelay $0x3  }
0xb5: {  	[tilespmem:s14+$0x320] =	vst v18  }
0xb6: {  	v17 =	vld.idx.msk [tilespmem:v17+s8+$0x0], $0xffff  }
0xb7: {  	v18 =	vadd.s32 s13, v0;
	_ =	sdelay $0x3  }
0xb8: {  	[tilespmem:s14+$0x3A0] =	vst v17  }
0xb9: {  	v17 =	vld.idx.msk [tilespmem:v18+s10+$0x0], $0xffff;
	_ =	sdelay $0x4  }
0xba: {  	v17 =	vshll.u32 v17, $0x6  }
0xbb: {  	v18 =	vor.u32 v1, v17;
	_ =	sdelay $0x4  }
0xbc: {  	v18 =	vld.idx.msk [tilespmem:v18+s8+$0x0], $0xffff  }
0xbd: {  	v19 =	vor.u32 v2, v17;
	_ =	sdelay $0x3  }
0xbe: {  	[tilespmem:s14+$0xFFFFFC30] =	vst v18  }
0xbf: {  	v18 =	vld.idx.msk [tilespmem:v19+s8+$0x0], $0xffff  }
0xc0: {  	v19 =	vor.u32 v3, v17;
	_ =	sdelay $0x3  }
0xc1: {  	[tilespmem:s14+$0xFFFFFCB0] =	vst v18  }
0xc2: {  	v18 =	vld.idx.msk [tilespmem:v19+s8+$0x0], $0xffff  }
0xc3: {  	v19 =	vor.u32 v4, v17;
	_ =	sdelay $0x3  }
0xc4: {  	[tilespmem:s14+$0xFFFFFD30] =	vst v18  }
0xc5: {  	v18 =	vld.idx.msk [tilespmem:v19+s8+$0x0], $0xffff  }
0xc6: {  	v19 =	vor.u32 v5, v17;
	_ =	sdelay $0x3  }
0xc7: {  	[tilespmem:s14+$0xFFFFFDB0] =	vst v18  }
0xc8: {  	v18 =	vld.idx.msk [tilespmem:v19+s8+$0x0], $0xffff  }
0xc9: {  	v19 =	vor.u32 v6, v17;
	_ =	sdelay $0x3  }
0xca: {  	[tilespmem:s14+$0xFFFFFE30] =	vst v18  }
0xcb: {  	v18 =	vld.idx.msk [tilespmem:v19+s8+$0x0], $0xffff  }
0xcc: {  	v19 =	vor.u32 v7, v17;
	_ =	sdelay $0x3  }
0xcd: {  	[tilespmem:s14+$0xFFFFFEB0] =	vst v18  }
0xce: {  	v18 =	vld.idx.msk [tilespmem:v19+s8+$0x0], $0xffff  }
0xcf: {  	v19 =	vor.u32 v8, v17;
	_ =	sdelay $0x3  }
0xd0: {  	[tilespmem:s14+$0xFFFFFF30] =	vst v18  }
0xd1: {  	v18 =	vld.idx.msk [tilespmem:v19+s8+$0x0], $0xffff  }
0xd2: {  	v19 =	vor.u32 v9, v17;
	_ =	sdelay $0x3  }
0xd3: {  	[tilespmem:s14+$0xFFFFFFB0] =	vst v18  }
0xd4: {  	v18 =	vld.idx.msk [tilespmem:v19+s8+$0x0], $0xffff  }
0xd5: {  	v19 =	vor.u32 v10, v17;
	_ =	sdelay $0x3  }
0xd6: {  	[tilespmem:s14+$0x30] =	vst v18  }
0xd7: {  	v18 =	vld.idx.msk [tilespmem:v19+s8+$0x0], $0xffff  }
0xd8: {  	v19 =	vor.u32 v11, v17;
	_ =	sdelay $0x3  }
0xd9: {  	[tilespmem:s14+$0xB0] =	vst v18  }
0xda: {  	v18 =	vld.idx.msk [tilespmem:v19+s8+$0x0], $0xffff  }
0xdb: {  	v19 =	vor.u32 v12, v17;
	_ =	sdelay $0x3  }
0xdc: {  	[tilespmem:s14+$0x130] =	vst v18  }
0xdd: {  	v18 =	vld.idx.msk [tilespmem:v19+s8+$0x0], $0xffff  }
0xde: {  	v19 =	vor.u32 v13, v17;
	_ =	sdelay $0x3  }
0xdf: {  	[tilespmem:s14+$0x1B0] =	vst v18  }
0xe0: {  	v18 =	vld.idx.msk [tilespmem:v19+s8+$0x0], $0xffff  }
0xe1: {  	v19 =	vor.u32 v14, v17;
	_ =	sdelay $0x3  }
0xe2: {  	[tilespmem:s14+$0x230] =	vst v18  }
0xe3: {  	v18 =	vld.idx.msk [tilespmem:v19+s8+$0x0], $0xffff  }
0xe4: {  	v19 =	vor.u32 v15, v17;
	_ =	sdelay $0x3  }
0xe5: {  	[tilespmem:s14+$0x2B0] =	vst v18  }
0xe6: {  	v18 =	vld.idx.msk [tilespmem:v19+s8+$0x0], $0xffff  }
0xe7: {  	v17 =	vor.u32 v16, v17;
	_ =	sdelay $0x3  }
0xe8: {  	[tilespmem:s14+$0x330] =	vst v18  }
0xe9: {  	p1 =	sne.s32 s13, $0xC2;
	v17 =	vld.idx.msk [tilespmem:v17+s8+$0x0], $0xffff  }
.Ltmp0:
0xea: {  	_ = 	snop;
	(pc) =	sbr.rel @p1 .LBB2_2-.Ltmp0, $2  }
0xeb: {  	_ =	sdelay $0x2  }
0xec: {  	s13 =	sadd.s32 $0xE, s13;
	[tilespmem:s14+$0x3B0] =	vst v17;
	s14 =	sadd.s32 $0x800, s14  }
0xed: {  	_ =	strace $0x90000049;
	s12 =	sadd.s32 $0x1, s12  }
0xee: {  	_ =	strace $0x8000004A;
	p1 =	sne.s32 s12, s6  }
0xef: {  	[hbm4b:s5+s2] =	stream.linear.scatter [tilespmem:s11], [sflag:$0x1], $0x7000, $0x200038;
	[tilespmem:$0xF900] =	vst v63  }
.Ltmp1:
0xf0: {  	_ = 	snop;
	(pc) =	sbr.rel @p1 .LBB2_1-.Ltmp1, $4  }
0xf1: {  	_ =	swait.ge [sflag:s9], $0x7000  }
0xf2: {  	[sflag:s9] =	ssyncset.done $0x0  }
0xf3: {  	[sflag:s9] =	ssyncadd.s32 $0xFFFF9000  }
0xf4: {  	_ =	strace $0x9000004A  }
0xf5: {  	_ =	sfence.sel $0x180000  }
0xf6: {  	[bflag:$0x0] =	sbarrier.arrive $0xFFFF  }
0xf7: {  	_ =	strace $0x90000047  }
0xf8: {  	s0 =	sadd.s32 @!p0 $0x100000, s0;
	[bflag:$0x2] =	sbarrier.arrive $0xFFFF  }
0xf9: {  	[sflag:s0] =	ssyncadd.tile.s32 @!p0 $0x1;
	_ =	shalt  }
.Lfunc_end2:
_tile_overlayer_lowered:
.L_overlay_start_2:
0xfa: {  	(tag) =	ssettag $0x2  }
0xfb: {  	s0 =	rddreg [dreg:$0x0];
	s2 =	stileid.u32  }
0xfc: {  	s1 =	rddreg [dreg:$0x1];
	p0 =	sne.s32 s2, $0x0  }
0xfd: {  	s3 =	rddreg [dreg:$0x2];
	[bflag:$0x3] =	sbarrier.arrive $0xFFFF;
	s2 =	simm.s32 @!p0 $0x1C01  }
0xfe: {  	[timem:s3], [sflag:s2] =	dma.local @!p0 [hbm:s0], s1  }
0xff: {  	s0 =	simm.s32 @!p0 $0x1  }
0x100: {  	_ =	swait.ge @!p0 [sflag:s0], s1  }
0x101: {  	s1 =	ssub.s32 @!p0 $0x0, s1;
	[sflag:s0] =	ssyncset.done @!p0 $0x0  }
0x102: {  	[sflag:s0] =	ssyncadd.s32 @!p0 s1  }
0x103: {  	[bflag:$0x3] =	sbarrier.arrive $0xFFFF  }
0x104: {  	_ =	shalt  }

</sc_bundles>
